<compile_context>
chip_gen: v7x
topology: tpu7x:2x2x1
jax: 0.10.2.dev20260603
libtpu: 0.0.44.dev20260713+nightly
codegen_flags: <defaults>
</compile_context>

<pallas_src>
import functools

import jax
import jax.numpy as jnp
from jax import lax
from jax.experimental import pallas as pl
from jax.experimental.pallas import tpu as pltpu
from jax.experimental.pallas import tpu_sc as plsc

_NUM_EMB = 256
_EMB = 3

_info = plsc.get_sparse_core_info()
_NC, _NS, _L = _info.num_cores, _info.num_subcores, _info.num_lanes
_NW = _NC * _NS


def _min_body(x_ref, o_ref):
    @pl.when(pl.program_id(0) == 0)
    def _():
        o_ref[...] = jnp.full_like(o_ref[...], jnp.inf)

    o_ref[...] = jnp.minimum(o_ref[...], jnp.min(x_ref[...]))


def _global_min(feature):
    B, C, H, Wd = feature.shape
    grid = 8
    bb = B // grid
    out = pl.pallas_call(
        _min_body,
        grid=(grid,),
        in_specs=[pl.BlockSpec((bb, C, H, Wd), lambda i: (i, 0, 0, 0))],
        out_specs=pl.BlockSpec((8, 128), lambda i: (0, 0)),
        out_shape=jax.ShapeDtypeStruct((8, 128), jnp.float32),
    )(feature)
    return out


def _sc_lookup(feature, w_flat, m2d, planes_per_tile, rows):
    B, C, H, Wd = feature.shape
    piece = rows * Wd
    pieces_per_plane = H // rows
    nsteps = planes_per_tile * pieces_per_plane
    assert nsteps % 2 == 0
    mesh = plsc.VectorSubcoreMesh(core_axis_name="c", subcore_axis_name="s")

    @functools.partial(
        pl.kernel,
        mesh=mesh,
        compiler_params=pltpu.CompilerParams(needs_layout_passes=False),
        out_type=jax.ShapeDtypeStruct((B, _EMB, H, Wd), jnp.float32),
        scratch_types=[
            pltpu.VMEM((_EMB * _NUM_EMB,), jnp.float32),
            pltpu.VMEM((_L,), jnp.float32),
            pltpu.VMEM((rows, Wd), jnp.float32),
            pltpu.VMEM((rows, Wd), jnp.float32),
            pltpu.VMEM((_EMB, rows, Wd), jnp.float32),
            pltpu.VMEM((_EMB, rows, Wd), jnp.float32),
            pltpu.SemaphoreType.DMA,
            pltpu.SemaphoreType.DMA,
            pltpu.SemaphoreType.DMA,
            pltpu.SemaphoreType.DMA,
        ],
    )
    def k(f_hbm, w_hbm, m_hbm, out_hbm, w_v, m_v, in0, in1,
          ob0, ob1, is0, is1, os0, os1):
        ins = (in0, in1)
        outs = (ob0, ob1)
        isems = (is0, is1)
        osems = (os0, os1)
        wid = lax.axis_index("s") * _NC + lax.axis_index("c")
        pltpu.sync_copy(w_hbm, w_v)
        pltpu.sync_copy(m_hbm.at[0, pl.ds(0, _L)], m_v)
        m = m_v[...]
        scale = float(_NUM_EMB)
        pln0 = wid * planes_per_tile

        def in_slice(step):
            pln = pln0 + step // pieces_per_plane
            r0 = (step % pieces_per_plane) * rows
            return f_hbm.at[pln, 0, pl.ds(r0, rows), :]

        wshift = Wd.bit_length() - 1
        wmask = Wd - 1

        def compute(b):
            @plsc.parallel_loop(0, piece, _L, unroll=8)
            def _(i):
                r = i >> wshift
                c = i & wmask
                f = ins[b][r, pl.ds(c, _L)]
                ix = ((f - m) * scale).astype(jnp.int32) * _EMB
                for e in range(_EMB):
                    outs[b][e, r, pl.ds(c, _L)] = plsc.load_gather(
                        w_v, [ix + e]
                    )

        pltpu.async_copy(in_slice(0), ins[0], isems[0])
        pltpu.async_copy(in_slice(1), ins[1], isems[1])

        def pair_body(p, _):
            for b in range(2):
                step = p * 2 + b
                pltpu.make_async_copy(in_slice(step), ins[b], isems[b]).wait()

                @pl.when(p > 0)
                def _():
                    pltpu.make_async_copy(
                        out_hbm.at[0, :, pl.ds(0, rows), :], outs[b], osems[b]
                    ).wait()

                compute(b)
                pln = pln0 + step // pieces_per_plane
                r0 = (step % pieces_per_plane) * rows
                dst = out_hbm.at[pln, :, pl.ds(r0, rows), :]
                pltpu.async_copy(outs[b], dst, osems[b])

                @pl.when(step + 2 < nsteps)
                def _():
                    pltpu.async_copy(in_slice(step + 2), ins[b], isems[b])
            return 0

        lax.fori_loop(0, nsteps // 2, pair_body, 0)
        for b in range(2):
            pltpu.make_async_copy(
                out_hbm.at[0, :, pl.ds(0, rows), :], outs[b], osems[b]
            ).wait()

    return k(feature, w_flat, m2d)


def kernel(feature, W):
    B, C, H, Wd = feature.shape
    assert B % _NW == 0
    planes_per_tile = B // _NW
    m2d = _global_min(feature)
    return _sc_lookup(feature, W.reshape(-1), m2d, planes_per_tile, rows=16)

# --- scband reference (transcript-rebuilt; emitter-appended) ---
"""Pipeline reference for scband-index-embedding-23948737643179 (READ-ONLY COPY).

The authoritative reference and input builder live on the scoring server;
editing this copy changes nothing except your own understanding.
"""

import jax, jax.numpy as jnp
import numpy as np

NUM_EMBEDDINGS = 256
SIZE_EMBEDDING = 3

def setup_inputs(seed: int = 0) -> dict:
    key = jax.random.key(seed)
    k1, k2 = jax.random.split(key)
    feature = jax.random.uniform(k1, (64, 1, 512, 512), dtype=jnp.float32)
    W = jax.random.normal(k2, (NUM_EMBEDDINGS, SIZE_EMBEDDING), dtype=jnp.float32)
    return {"feature": feature, "W": W}

def reference(feature, W):
    ori = feature.shape  # (B, 1, H, W)
    f = feature - jnp.min(feature)
    idx = (f * NUM_EMBEDDINGS).astype(jnp.int32).reshape(1, -1)
    idx = jax.lax.stop_gradient(idx)
    x = jnp.take(W, idx, axis=0)  # (1, B*H*W, E)
    x = x.reshape(ori[0], ori[2], ori[3], -1)  # (B, H, W, E)
    x = jnp.transpose(x, (0, 3, 1, 2))  # (B, E, H, W)
    return x

if __name__ == "__main__":
    import jax
    _d = setup_inputs()
    print(jax.jit(kernel)(*tuple(_d.values())))

</pallas_src>

<mosaic_0001>
#map = affine_map<(d0, d1) -> (0, 0, 0, 0)>
#map1 = affine_map<(d0, d1) -> (0)>
#map2 = affine_map<(d0, d1) -> (0, 0)>
module attributes {stable_mosaic.version = 14 : i64} {
  func.func @k(%arg0: i32, %arg1: i32, %arg2: memref<64x1x512x512xf32, #tpu.memory_space<hbm>>, %arg3: memref<768xf32, #tpu.memory_space<hbm>>, %arg4: memref<8x128xf32, #tpu.memory_space<hbm>>, %arg5: memref<64x3x512x512xf32, #tpu.memory_space<hbm>>, %arg6: memref<768xf32, #tpu.memory_space<vmem>>, %arg7: memref<16xf32, #tpu.memory_space<vmem>>, %arg8: memref<16x512xf32, #tpu.memory_space<vmem>>, %arg9: memref<16x512xf32, #tpu.memory_space<vmem>>, %arg10: memref<3x16x512xf32, #tpu.memory_space<vmem>>, %arg11: memref<3x16x512xf32, #tpu.memory_space<vmem>>, %arg12: memref<!tpu.dma_semaphore, #tpu.memory_space<semaphore_mem>>, %arg13: memref<!tpu.dma_semaphore, #tpu.memory_space<semaphore_mem>>, %arg14: memref<!tpu.dma_semaphore, #tpu.memory_space<semaphore_mem>>, %arg15: memref<!tpu.dma_semaphore, #tpu.memory_space<semaphore_mem>>) attributes {dimension_semantics = [#tpu.dimension_semantics<core_parallel>, #tpu.dimension_semantics<subcore_parallel>], iteration_bounds = array<i64: 2, 16>, scalar_prefetch = 0 : i64, scratch_operands = 10 : i64, tpu.core_type = #tpu.core_type<sc_vector_subcore>, window_params = [{transform_indices = #map}, {transform_indices = #map1}, {transform_indices = #map2}, {transform_indices = #map}]} {
    %mul3A = arith.constant 2 : i32
    %mul3A_0 = arith.muli %arg1, %mul3A : i32
    %add3A = arith.addi %mul3A_0, %arg0 : i32
    "tpu.region"() ({
      %run_scoped3A_52 = tpu.sem_alloc : memref<!tpu.dma_semaphore, #tpu.memory_space<semaphore_mem>>
      tpu.enqueue_dma source(%arg3 : memref<768xf32, #tpu.memory_space<hbm>>) target(%arg6 : memref<768xf32, #tpu.memory_space<vmem>>) target_semaphore(%run_scoped3A_52 : memref<!tpu.dma_semaphore, #tpu.memory_space<semaphore_mem>>)
      tpu.wait_dma2 semaphore(%run_scoped3A_52 : memref<!tpu.dma_semaphore, #tpu.memory_space<semaphore_mem>>) src(%arg3 : memref<768xf32, #tpu.memory_space<hbm>>) dst(%arg6 : memref<768xf32, #tpu.memory_space<vmem>>)
      tpu.yield
    }) : () -> ()
    %run_scoped3A = arith.constant 0 : i32
    "tpu.region"() ({
      %run_scoped3A_52 = tpu.sem_alloc : memref<!tpu.dma_semaphore, #tpu.memory_space<semaphore_mem>>
      %dma_start3A_53 = arith.constant 0 : i32
      %dma_start3A_54 = tpu.memref_slice %arg4[%run_scoped3A, %dma_start3A_53] : memref<8x128xf32, #tpu.memory_space<hbm>> -> memref<1x16xf32, #tpu.memory_space<hbm>>
      %dma_start3A_55 = tpu.memref_squeeze %dma_start3A_54 : memref<1x16xf32, #tpu.memory_space<hbm>> -> memref<16xf32, #tpu.memory_space<hbm>>
      %dma_start3A_56 = arith.constant 0 : i32
      %dma_start3A_57 = tpu.memref_slice %arg4[%run_scoped3A, %dma_start3A_56] : memref<8x128xf32, #tpu.memory_space<hbm>> -> memref<1x16xf32, #tpu.memory_space<hbm>>
      %dma_start3A_58 = tpu.memref_squeeze %dma_start3A_57 : memref<1x16xf32, #tpu.memory_space<hbm>> -> memref<16xf32, #tpu.memory_space<hbm>>
      tpu.enqueue_dma source(%dma_start3A_58 : memref<16xf32, #tpu.memory_space<hbm>>) target(%arg7 : memref<16xf32, #tpu.memory_space<vmem>>) target_semaphore(%run_scoped3A_52 : memref<!tpu.dma_semaphore, #tpu.memory_space<semaphore_mem>>)
      %dma_wait3A_59 = arith.constant 0 : i32
      %dma_wait3A_60 = tpu.memref_slice %arg4[%run_scoped3A, %dma_wait3A_59] : memref<8x128xf32, #tpu.memory_space<hbm>> -> memref<1x16xf32, #tpu.memory_space<hbm>>
      %dma_wait3A_61 = tpu.memref_squeeze %dma_wait3A_60 : memref<1x16xf32, #tpu.memory_space<hbm>> -> memref<16xf32, #tpu.memory_space<hbm>>
      %dma_wait3A_62 = arith.constant 0 : i32
      %dma_wait3A_63 = tpu.memref_slice %arg4[%run_scoped3A, %dma_wait3A_62] : memref<8x128xf32, #tpu.memory_space<hbm>> -> memref<1x16xf32, #tpu.memory_space<hbm>>
      %dma_wait3A_64 = tpu.memref_squeeze %dma_wait3A_63 : memref<1x16xf32, #tpu.memory_space<hbm>> -> memref<16xf32, #tpu.memory_space<hbm>>
      tpu.wait_dma2 semaphore(%run_scoped3A_52 : memref<!tpu.dma_semaphore, #tpu.memory_space<semaphore_mem>>) src(%dma_wait3A_64 : memref<16xf32, #tpu.memory_space<hbm>>) dst(%arg7 : memref<16xf32, #tpu.memory_space<vmem>>)
      tpu.yield
    }) : () -> ()
    %get3A = arith.constant 0 : index
    %get3A_1 = tpu.vector_load %arg7[%get3A] {strides = array<i32>} : memref<16xf32, #tpu.memory_space<vmem>>, vector<16xf32>,
    %mul3A_2 = arith.constant 2 : i32
    %mul3A_3 = arith.muli %add3A, %mul3A_2 : i32
    %add3A_4 = arith.constant 0 : i32
    %add3A_5 = arith.addi %mul3A_3, %add3A_4 : i32
    %dma_start3A = arith.constant 0 : i32
    %dma_start3A_6 = arith.constant 0 : i32
    %dma_start3A_7 = arith.constant 0 : i32
    %dma_start3A_8 = tpu.memref_slice %arg2[%add3A_5, %dma_start3A, %dma_start3A_6, %dma_start3A_7] : memref<64x1x512x512xf32, #tpu.memory_space<hbm>> -> memref<1x1x16x512xf32, #tpu.memory_space<hbm>>
    %dma_start3A_9 = tpu.memref_squeeze %dma_start3A_8 : memref<1x1x16x512xf32, #tpu.memory_space<hbm>> -> memref<16x512xf32, #tpu.memory_space<hbm>>
    %dma_start3A_10 = arith.constant 0 : i32
    %dma_start3A_11 = arith.constant 0 : i32
    %dma_start3A_12 = tpu.memref_slice %arg2[%add3A_5, %dma_start3A, %dma_start3A_10, %dma_start3A_11] : memref<64x1x512x512xf32, #tpu.memory_space<hbm>> -> memref<1x1x16x512xf32, #tpu.memory_space<hbm>>
    %dma_start3A_13 = tpu.memref_squeeze %dma_start3A_12 : memref<1x1x16x512xf32, #tpu.memory_space<hbm>> -> memref<16x512xf32, #tpu.memory_space<hbm>>
    tpu.enqueue_dma source(%dma_start3A_13 : memref<16x512xf32, #tpu.memory_space<hbm>>) target(%arg8 : memref<16x512xf32, #tpu.memory_space<vmem>>) target_semaphore(%arg12 : memref<!tpu.dma_semaphore, #tpu.memory_space<semaphore_mem>>)
    %add3A_14 = arith.constant 0 : i32
    %add3A_15 = arith.addi %mul3A_3, %add3A_14 : i32
    %dma_start3A_16 = arith.constant 0 : i32
    %dma_start3A_17 = arith.constant 16 : i32
    %dma_start3A_18 = arith.constant 0 : i32
    %dma_start3A_19 = tpu.memref_slice %arg2[%add3A_15, %dma_start3A_16, %dma_start3A_17, %dma_start3A_18] : memref<64x1x512x512xf32, #tpu.memory_space<hbm>> -> memref<1x1x16x512xf32, #tpu.memory_space<hbm>>
    %dma_start3A_20 = tpu.memref_squeeze %dma_start3A_19 : memref<1x1x16x512xf32, #tpu.memory_space<hbm>> -> memref<16x512xf32, #tpu.memory_space<hbm>>
    %dma_start3A_21 = arith.constant 16 : i32
    %dma_start3A_22 = arith.constant 0 : i32
    %dma_start3A_23 = tpu.memref_slice %arg2[%add3A_15, %dma_start3A_16, %dma_start3A_21, %dma_start3A_22] : memref<64x1x512x512xf32, #tpu.memory_space<hbm>> -> memref<1x1x16x512xf32, #tpu.memory_space<hbm>>
    %dma_start3A_24 = tpu.memref_squeeze %dma_start3A_23 : memref<1x1x16x512xf32, #tpu.memory_space<hbm>> -> memref<16x512xf32, #tpu.memory_space<hbm>>
    tpu.enqueue_dma source(%dma_start3A_24 : memref<16x512xf32, #tpu.memory_space<hbm>>) target(%arg9 : memref<16x512xf32, #tpu.memory_space<vmem>>) target_semaphore(%arg13 : memref<!tpu.dma_semaphore, #tpu.memory_space<semaphore_mem>>)
    %scan3A = arith.constant 0 : i32
    %scan3A_25 = arith.constant 0 : i32
    %scan3A_26 = arith.constant 32 : i32
    %scan3A_27 = arith.addi %scan3A_25, %scan3A_26 : i32
    %scan3A_28 = arith.constant 1 : i32
    %scan3A_29 = scf.for %scan3A_52 = %scan3A_25 to %scan3A_27 step %scan3A_28 iter_args(%scan3A_53 = %scan3A) -> (i32)  : i32 {
      %mul3A_54 = arith.constant 2 : i32
      %mul3A_55 = arith.muli %scan3A_52, %mul3A_54 : i32
      %add3A_56 = arith.constant 0 : i32
      %add3A_57 = arith.addi %mul3A_55, %add3A_56 : i32
      %jit3A = arith.constant 32 : i32
      %div3A = arith.divsi %add3A_57, %jit3A : i32
      %sign3A = arith.constant 0 : i32
      %sign3A_58 = arith.cmpi sgt, %add3A_57, %sign3A : i32
      %sign3A_59 = arith.extui %sign3A_58 : i1 to i32
      %sign3A_60 = arith.constant 0 : i32
      %sign3A_61 = arith.cmpi slt, %add3A_57, %sign3A_60 : i32
      %sign3A_62 = arith.extui %sign3A_61 : i1 to i32
      %sign3A_63 = arith.subi %sign3A_59, %sign3A_62 : i32
      %sign3A_64 = arith.constant 0 : i32
      %sign3A_65 = arith.cmpi sgt, %jit3A, %sign3A_64 : i32
      %sign3A_66 = arith.extui %sign3A_65 : i1 to i32
      %sign3A_67 = arith.constant 0 : i32
      %sign3A_68 = arith.cmpi slt, %jit3A, %sign3A_67 : i32
      %sign3A_69 = arith.extui %sign3A_68 : i1 to i32
      %sign3A_70 = arith.subi %sign3A_66, %sign3A_69 : i32
      %ne3A = arith.cmpi ne, %sign3A_63, %sign3A_70 : i32
      %rem3A = arith.remsi %add3A_57, %jit3A : i32
      %ne3A_71 = arith.constant 0 : i32
      %ne3A_72 = arith.cmpi ne, %rem3A, %ne3A_71 : i32
      %and3A = arith.andi %ne3A, %ne3A_72 : i1
      %sub3A = arith.constant 1 : i32
      %sub3A_73 = arith.subi %div3A, %sub3A : i32
      %select_n3A = arith.select %and3A, %sub3A_73, %div3A : i32
      %add3A_74 = arith.addi %mul3A_3, %select_n3A : i32
      %jit3A_75 = arith.constant 32 : i32
      %eq3A = arith.constant 0 : i32
      %eq3A_76 = arith.cmpi eq, %jit3A_75, %eq3A : i32
      %jit3A_77 = arith.constant 1 : i32
      %select_n3A_78 = arith.select %eq3A_76, %jit3A_77, %jit3A_75 : i32
      %rem3A_79 = arith.remsi %add3A_57, %select_n3A_78 : i32
      %ne3A_80 = arith.constant 0 : i32
      %ne3A_81 = arith.cmpi ne, %rem3A_79, %ne3A_80 : i32
      %lt3A = arith.constant 0 : i32
      %lt3A_82 = arith.cmpi slt, %rem3A_79, %lt3A : i32
      %lt3A_83 = arith.constant 0 : i32
      %lt3A_84 = arith.cmpi slt, %select_n3A_78, %lt3A_83 : i32
      %ne3A_85 = arith.xori %lt3A_82, %lt3A_84 : i1
      %and3A_86 = arith.andi %ne3A_85, %ne3A_81 : i1
      %add3A_87 = arith.addi %rem3A_79, %select_n3A_78 : i32
      %select_n3A_88 = arith.select %and3A_86, %add3A_87, %rem3A_79 : i32
      %mul3A_89 = arith.constant 16 : i32
      %mul3A_90 = arith.muli %select_n3A_88, %mul3A_89 : i32
      %dma_wait3A_91 = arith.constant 0 : i32
      %dma_wait3A_92 = arith.constant 0 : i32
      %dma_wait3A_93 = tpu.memref_slice %arg2[%add3A_74, %dma_wait3A_91, %mul3A_90, %dma_wait3A_92] : memref<64x1x512x512xf32, #tpu.memory_space<hbm>> -> memref<1x1x16x512xf32, #tpu.memory_space<hbm>>
      %dma_wait3A_94 = tpu.memref_squeeze %dma_wait3A_93 : memref<1x1x16x512xf32, #tpu.memory_space<hbm>> -> memref<16x512xf32, #tpu.memory_space<hbm>>
      %dma_wait3A_95 = arith.constant 0 : i32
      %dma_wait3A_96 = tpu.memref_slice %arg2[%add3A_74, %dma_wait3A_91, %mul3A_90, %dma_wait3A_95] : memref<64x1x512x512xf32, #tpu.memory_space<hbm>> -> memref<1x1x16x512xf32, #tpu.memory_space<hbm>>
      %dma_wait3A_97 = tpu.memref_squeeze %dma_wait3A_96 : memref<1x1x16x512xf32, #tpu.memory_space<hbm>> -> memref<16x512xf32, #tpu.memory_space<hbm>>
      tpu.wait_dma2 semaphore(%arg12 : memref<!tpu.dma_semaphore, #tpu.memory_space<semaphore_mem>>) src(%dma_wait3A_97 : memref<16x512xf32, #tpu.memory_space<hbm>>) dst(%arg8 : memref<16x512xf32, #tpu.memory_space<vmem>>)
      %gt3A = arith.constant 0 : i32
      %gt3A_98 = arith.cmpi sgt, %scan3A_52, %gt3A : i32
      %convert_element_type3A = arith.extui %gt3A_98 : i1 to i32
      %cond3A = arith.constant 0 : i32
      %cond3A_99 = arith.cmpi ne, %convert_element_type3A, %cond3A : i32
      scf.if %cond3A_99 {
        %dma_wait3A_281 = arith.constant 0 : i32
        %dma_wait3A_282 = arith.constant 0 : i32
        %dma_wait3A_283 = arith.constant 0 : i32
        %dma_wait3A_284 = arith.constant 0 : i32
        %dma_wait3A_285 = tpu.memref_slice %arg5[%dma_wait3A_281, %dma_wait3A_282, %dma_wait3A_283, %dma_wait3A_284] : memref<64x3x512x512xf32, #tpu.memory_space<hbm>> -> memref<1x3x16x512xf32, #tpu.memory_space<hbm>>
        %dma_wait3A_286 = tpu.memref_squeeze %dma_wait3A_285 : memref<1x3x16x512xf32, #tpu.memory_space<hbm>> -> memref<3x16x512xf32, #tpu.memory_space<hbm>>
        %dma_wait3A_287 = arith.constant 0 : i32
        %dma_wait3A_288 = arith.constant 0 : i32
        %dma_wait3A_289 = arith.constant 0 : i32
        %dma_wait3A_290 = tpu.memref_slice %arg5[%dma_wait3A_281, %dma_wait3A_287, %dma_wait3A_288, %dma_wait3A_289] : memref<64x3x512x512xf32, #tpu.memory_space<hbm>> -> memref<1x3x16x512xf32, #tpu.memory_space<hbm>>
        %dma_wait3A_291 = tpu.memref_squeeze %dma_wait3A_290 : memref<1x3x16x512xf32, #tpu.memory_space<hbm>> -> memref<3x16x512xf32, #tpu.memory_space<hbm>>
        tpu.wait_dma2 semaphore(%arg14 : memref<!tpu.dma_semaphore, #tpu.memory_space<semaphore_mem>>) src(%dma_wait3A_291 : memref<3x16x512xf32, #tpu.memory_space<hbm>>) dst(%arg10 : memref<3x16x512xf32, #tpu.memory_space<vmem>>)
      } else {
      }
      %parallel_loop3A = arith.constant 0 : i32
      %parallel_loop3A_100 = arith.constant 8192 : i32
      %parallel_loop3A_101 = arith.constant 16 : i32
      scf.for %parallel_loop3A_281 = %parallel_loop3A to %parallel_loop3A_100 step %parallel_loop3A_101  : i32 {
        %parallel_loop3A_282 = arith.constant 9 : i32
        %parallel_loop3A_283 = arith.shrsi %parallel_loop3A_281, %parallel_loop3A_282 : i32
        %parallel_loop3A_284 = arith.constant 511 : i32
        %parallel_loop3A_285 = arith.andi %parallel_loop3A_281, %parallel_loop3A_284 : i32
        %parallel_loop3A_286 = arith.index_cast %parallel_loop3A_283 : i32 to index
        %parallel_loop3A_287 = arith.index_cast %parallel_loop3A_285 : i32 to index
        %parallel_loop3A_288 = tpu.vector_load %arg8[%parallel_loop3A_286, %parallel_loop3A_287] {strides = array<i32>} : memref<16x512xf32, #tpu.memory_space<vmem>>, vector<16xf32>,
        %parallel_loop3A_289 = arith.subf %parallel_loop3A_288, %get3A_1 : vector<16xf32>
        %parallel_loop3A_290 = arith.constant 2.560000e+02 : f32
        %parallel_loop3A_291 = vector.broadcast %parallel_loop3A_290 : f32 to vector<16xf32>
        %parallel_loop3A_292 = arith.mulf %parallel_loop3A_289, %parallel_loop3A_291 : vector<16xf32>
        %parallel_loop3A_293 = arith.fptosi %parallel_loop3A_292 : vector<16xf32> to vector<16xi32>
        %parallel_loop3A_294 = arith.constant 3 : i32
        %parallel_loop3A_295 = vector.broadcast %parallel_loop3A_294 : i32 to vector<16xi32>
        %parallel_loop3A_296 = arith.muli %parallel_loop3A_293, %parallel_loop3A_295 : vector<16xi32>
        %parallel_loop3A_297 = arith.constant 0 : i32
        %parallel_loop3A_298 = vector.broadcast %parallel_loop3A_297 : i32 to vector<16xi32>
        %parallel_loop3A_299 = arith.addi %parallel_loop3A_296, %parallel_loop3A_298 : vector<16xi32>
        %parallel_loop3A_300 = tpu.vector_load_idx %arg6[%parallel_loop3A_299] : memref<768xf32, #tpu.memory_space<vmem>>[vector<16xi32>], vector<16xf32>,
        %parallel_loop3A_301 = arith.constant 0 : i32
        %parallel_loop3A_302 = arith.index_cast %parallel_loop3A_301 : i32 to index
        %parallel_loop3A_303 = arith.index_cast %parallel_loop3A_283 : i32 to index
        %parallel_loop3A_304 = arith.index_cast %parallel_loop3A_285 : i32 to index
        %parallel_loop3A_305 = tpu.vector_load %arg10[%parallel_loop3A_302, %parallel_loop3A_303, %parallel_loop3A_304] {strides = array<i32>} : memref<3x16x512xf32, #tpu.memory_space<vmem>>, vector<16xf32>,
        tpu.vector_store %arg10[%parallel_loop3A_302, %parallel_loop3A_303, %parallel_loop3A_304], %parallel_loop3A_300 {strides = array<i32>} : memref<3x16x512xf32, #tpu.memory_space<vmem>>, vector<16xf32>,
        %parallel_loop3A_306 = arith.constant 1 : i32
        %parallel_loop3A_307 = vector.broadcast %parallel_loop3A_306 : i32 to vector<16xi32>
        %parallel_loop3A_308 = arith.addi %parallel_loop3A_296, %parallel_loop3A_307 : vector<16xi32>
        %parallel_loop3A_309 = tpu.vector_load_idx %arg6[%parallel_loop3A_308] : memref<768xf32, #tpu.memory_space<vmem>>[vector<16xi32>], vector<16xf32>,
        %parallel_loop3A_310 = arith.constant 1 : i32
        %parallel_loop3A_311 = arith.index_cast %parallel_loop3A_310 : i32 to index
        %parallel_loop3A_312 = arith.index_cast %parallel_loop3A_283 : i32 to index
        %parallel_loop3A_313 = arith.index_cast %parallel_loop3A_285 : i32 to index
        %parallel_loop3A_314 = tpu.vector_load %arg10[%parallel_loop3A_311, %parallel_loop3A_312, %parallel_loop3A_313] {strides = array<i32>} : memref<3x16x512xf32, #tpu.memory_space<vmem>>, vector<16xf32>,
        tpu.vector_store %arg10[%parallel_loop3A_311, %parallel_loop3A_312, %parallel_loop3A_313], %parallel_loop3A_309 {strides = array<i32>} : memref<3x16x512xf32, #tpu.memory_space<vmem>>, vector<16xf32>,
        %parallel_loop3A_315 = arith.constant 2 : i32
        %parallel_loop3A_316 = vector.broadcast %parallel_loop3A_315 : i32 to vector<16xi32>
        %parallel_loop3A_317 = arith.addi %parallel_loop3A_296, %parallel_loop3A_316 : vector<16xi32>
        %parallel_loop3A_318 = tpu.vector_load_idx %arg6[%parallel_loop3A_317] : memref<768xf32, #tpu.memory_space<vmem>>[vector<16xi32>], vector<16xf32>,
        %parallel_loop3A_319 = arith.constant 2 : i32
        %parallel_loop3A_320 = arith.index_cast %parallel_loop3A_319 : i32 to index
        %parallel_loop3A_321 = arith.index_cast %parallel_loop3A_283 : i32 to index
        %parallel_loop3A_322 = arith.index_cast %parallel_loop3A_285 : i32 to index
        %parallel_loop3A_323 = tpu.vector_load %arg10[%parallel_loop3A_320, %parallel_loop3A_321, %parallel_loop3A_322] {strides = array<i32>} : memref<3x16x512xf32, #tpu.memory_space<vmem>>, vector<16xf32>,
        tpu.vector_store %arg10[%parallel_loop3A_320, %parallel_loop3A_321, %parallel_loop3A_322], %parallel_loop3A_318 {strides = array<i32>} : memref<3x16x512xf32, #tpu.memory_space<vmem>>, vector<16xf32>,
      } {sc.loop_unroll_factor = 8 : i64, sc.parallel_access}
      %jit3A_102 = arith.constant 32 : i32
      %div3A_103 = arith.divsi %add3A_57, %jit3A_102 : i32
      %sign3A_104 = arith.constant 0 : i32
      %sign3A_105 = arith.cmpi sgt, %add3A_57, %sign3A_104 : i32
      %sign3A_106 = arith.extui %sign3A_105 : i1 to i32
      %sign3A_107 = arith.constant 0 : i32
      %sign3A_108 = arith.cmpi slt, %add3A_57, %sign3A_107 : i32
      %sign3A_109 = arith.extui %sign3A_108 : i1 to i32
      %sign3A_110 = arith.subi %sign3A_106, %sign3A_109 : i32
      %sign3A_111 = arith.constant 0 : i32
      %sign3A_112 = arith.cmpi sgt, %jit3A_102, %sign3A_111 : i32
      %sign3A_113 = arith.extui %sign3A_112 : i1 to i32
      %sign3A_114 = arith.constant 0 : i32
      %sign3A_115 = arith.cmpi slt, %jit3A_102, %sign3A_114 : i32
      %sign3A_116 = arith.extui %sign3A_115 : i1 to i32
      %sign3A_117 = arith.subi %sign3A_113, %sign3A_116 : i32
      %ne3A_118 = arith.cmpi ne, %sign3A_110, %sign3A_117 : i32
      %rem3A_119 = arith.remsi %add3A_57, %jit3A_102 : i32
      %ne3A_120 = arith.constant 0 : i32
      %ne3A_121 = arith.cmpi ne, %rem3A_119, %ne3A_120 : i32
      %and3A_122 = arith.andi %ne3A_118, %ne3A_121 : i1
      %sub3A_123 = arith.constant 1 : i32
      %sub3A_124 = arith.subi %div3A_103, %sub3A_123 : i32
      %select_n3A_125 = arith.select %and3A_122, %sub3A_124, %div3A_103 : i32
      %add3A_126 = arith.addi %mul3A_3, %select_n3A_125 : i32
      %jit3A_127 = arith.constant 32 : i32
      %eq3A_128 = arith.constant 0 : i32
      %eq3A_129 = arith.cmpi eq, %jit3A_127, %eq3A_128 : i32
      %jit3A_130 = arith.constant 1 : i32
      %select_n3A_131 = arith.select %eq3A_129, %jit3A_130, %jit3A_127 : i32
      %rem3A_132 = arith.remsi %add3A_57, %select_n3A_131 : i32
      %ne3A_133 = arith.constant 0 : i32
      %ne3A_134 = arith.cmpi ne, %rem3A_132, %ne3A_133 : i32
      %lt3A_135 = arith.constant 0 : i32
      %lt3A_136 = arith.cmpi slt, %rem3A_132, %lt3A_135 : i32
      %lt3A_137 = arith.constant 0 : i32
      %lt3A_138 = arith.cmpi slt, %select_n3A_131, %lt3A_137 : i32
      %ne3A_139 = arith.xori %lt3A_136, %lt3A_138 : i1
      %and3A_140 = arith.andi %ne3A_139, %ne3A_134 : i1
      %add3A_141 = arith.addi %rem3A_132, %select_n3A_131 : i32
      %select_n3A_142 = arith.select %and3A_140, %add3A_141, %rem3A_132 : i32
      %mul3A_143 = arith.constant 16 : i32
      %mul3A_144 = arith.muli %select_n3A_142, %mul3A_143 : i32
      %dma_start3A_145 = arith.constant 0 : i32
      %dma_start3A_146 = arith.constant 0 : i32
      %dma_start3A_147 = tpu.memref_slice %arg5[%add3A_126, %dma_start3A_145, %mul3A_144, %dma_start3A_146] : memref<64x3x512x512xf32, #tpu.memory_space<hbm>> -> memref<1x3x16x512xf32, #tpu.memory_space<hbm>>
      %dma_start3A_148 = tpu.memref_squeeze %dma_start3A_147 : memref<1x3x16x512xf32, #tpu.memory_space<hbm>> -> memref<3x16x512xf32, #tpu.memory_space<hbm>>
      %dma_start3A_149 = arith.constant 0 : i32
      %dma_start3A_150 = arith.constant 0 : i32
      %dma_start3A_151 = tpu.memref_slice %arg5[%add3A_126, %dma_start3A_149, %mul3A_144, %dma_start3A_150] : memref<64x3x512x512xf32, #tpu.memory_space<hbm>> -> memref<1x3x16x512xf32, #tpu.memory_space<hbm>>
      %dma_start3A_152 = tpu.memref_squeeze %dma_start3A_151 : memref<1x3x16x512xf32, #tpu.memory_space<hbm>> -> memref<3x16x512xf32, #tpu.memory_space<hbm>>
      tpu.enqueue_dma source(%arg10 : memref<3x16x512xf32, #tpu.memory_space<vmem>>) target(%dma_start3A_152 : memref<3x16x512xf32, #tpu.memory_space<hbm>>) target_semaphore(%arg14 : memref<!tpu.dma_semaphore, #tpu.memory_space<semaphore_mem>>)
      %add3A_153 = arith.constant 2 : i32
      %add3A_154 = arith.addi %add3A_57, %add3A_153 : i32
      %lt3A_155 = arith.constant 64 : i32
      %lt3A_156 = arith.cmpi slt, %add3A_154, %lt3A_155 : i32
      %convert_element_type3A_157 = arith.extui %lt3A_156 : i1 to i32
      %cond3A_158 = arith.constant 0 : i32
      %cond3A_159 = arith.cmpi ne, %convert_element_type3A_157, %cond3A_158 : i32
      scf.if %cond3A_159 {
        %add3A_281 = arith.constant 2 : i32
        %add3A_282 = arith.addi %add3A_57, %add3A_281 : i32
        %jit3A_283 = arith.constant 32 : i32
        %div3A_284 = arith.divsi %add3A_282, %jit3A_283 : i32
        %sign3A_285 = arith.constant 0 : i32
        %sign3A_286 = arith.cmpi sgt, %add3A_282, %sign3A_285 : i32
        %sign3A_287 = arith.extui %sign3A_286 : i1 to i32
        %sign3A_288 = arith.constant 0 : i32
        %sign3A_289 = arith.cmpi slt, %add3A_282, %sign3A_288 : i32
        %sign3A_290 = arith.extui %sign3A_289 : i1 to i32
        %sign3A_291 = arith.subi %sign3A_287, %sign3A_290 : i32
        %sign3A_292 = arith.constant 0 : i32
        %sign3A_293 = arith.cmpi sgt, %jit3A_283, %sign3A_292 : i32
        %sign3A_294 = arith.extui %sign3A_293 : i1 to i32
        %sign3A_295 = arith.constant 0 : i32
        %sign3A_296 = arith.cmpi slt, %jit3A_283, %sign3A_295 : i32
        %sign3A_297 = arith.extui %sign3A_296 : i1 to i32
        %sign3A_298 = arith.subi %sign3A_294, %sign3A_297 : i32
        %ne3A_299 = arith.cmpi ne, %sign3A_291, %sign3A_298 : i32
        %rem3A_300 = arith.remsi %add3A_282, %jit3A_283 : i32
        %ne3A_301 = arith.constant 0 : i32
        %ne3A_302 = arith.cmpi ne, %rem3A_300, %ne3A_301 : i32
        %and3A_303 = arith.andi %ne3A_299, %ne3A_302 : i1
        %sub3A_304 = arith.constant 1 : i32
        %sub3A_305 = arith.subi %div3A_284, %sub3A_304 : i32
        %select_n3A_306 = arith.select %and3A_303, %sub3A_305, %div3A_284 : i32
        %add3A_307 = arith.addi %mul3A_3, %select_n3A_306 : i32
        %jit3A_308 = arith.constant 32 : i32
        %eq3A_309 = arith.constant 0 : i32
        %eq3A_310 = arith.cmpi eq, %jit3A_308, %eq3A_309 : i32
        %jit3A_311 = arith.constant 1 : i32
        %select_n3A_312 = arith.select %eq3A_310, %jit3A_311, %jit3A_308 : i32
        %rem3A_313 = arith.remsi %add3A_282, %select_n3A_312 : i32
        %ne3A_314 = arith.constant 0 : i32
        %ne3A_315 = arith.cmpi ne, %rem3A_313, %ne3A_314 : i32
        %lt3A_316 = arith.constant 0 : i32
        %lt3A_317 = arith.cmpi slt, %rem3A_313, %lt3A_316 : i32
        %lt3A_318 = arith.constant 0 : i32
        %lt3A_319 = arith.cmpi slt, %select_n3A_312, %lt3A_318 : i32
        %ne3A_320 = arith.xori %lt3A_317, %lt3A_319 : i1
        %and3A_321 = arith.andi %ne3A_320, %ne3A_315 : i1
        %add3A_322 = arith.addi %rem3A_313, %select_n3A_312 : i32
        %select_n3A_323 = arith.select %and3A_321, %add3A_322, %rem3A_313 : i32
        %mul3A_324 = arith.constant 16 : i32
        %mul3A_325 = arith.muli %select_n3A_323, %mul3A_324 : i32
        %dma_start3A_326 = arith.constant 0 : i32
        %dma_start3A_327 = arith.constant 0 : i32
        %dma_start3A_328 = tpu.memref_slice %arg2[%add3A_307, %dma_start3A_326, %mul3A_325, %dma_start3A_327] : memref<64x1x512x512xf32, #tpu.memory_space<hbm>> -> memref<1x1x16x512xf32, #tpu.memory_space<hbm>>
        %dma_start3A_329 = tpu.memref_squeeze %dma_start3A_328 : memref<1x1x16x512xf32, #tpu.memory_space<hbm>> -> memref<16x512xf32, #tpu.memory_space<hbm>>
        %dma_start3A_330 = arith.constant 0 : i32
        %dma_start3A_331 = tpu.memref_slice %arg2[%add3A_307, %dma_start3A_326, %mul3A_325, %dma_start3A_330] : memref<64x1x512x512xf32, #tpu.memory_space<hbm>> -> memref<1x1x16x512xf32, #tpu.memory_space<hbm>>
        %dma_start3A_332 = tpu.memref_squeeze %dma_start3A_331 : memref<1x1x16x512xf32, #tpu.memory_space<hbm>> -> memref<16x512xf32, #tpu.memory_space<hbm>>
        tpu.enqueue_dma source(%dma_start3A_332 : memref<16x512xf32, #tpu.memory_space<hbm>>) target(%arg8 : memref<16x512xf32, #tpu.memory_space<vmem>>) target_semaphore(%arg12 : memref<!tpu.dma_semaphore, #tpu.memory_space<semaphore_mem>>)
      } else {
      }
      %mul3A_160 = arith.constant 2 : i32
      %mul3A_161 = arith.muli %scan3A_52, %mul3A_160 : i32
      %add3A_162 = arith.constant 1 : i32
      %add3A_163 = arith.addi %mul3A_161, %add3A_162 : i32
      %jit3A_164 = arith.constant 32 : i32
      %div3A_165 = arith.divsi %add3A_163, %jit3A_164 : i32
      %sign3A_166 = arith.constant 0 : i32
      %sign3A_167 = arith.cmpi sgt, %add3A_163, %sign3A_166 : i32
      %sign3A_168 = arith.extui %sign3A_167 : i1 to i32
      %sign3A_169 = arith.constant 0 : i32
      %sign3A_170 = arith.cmpi slt, %add3A_163, %sign3A_169 : i32
      %sign3A_171 = arith.extui %sign3A_170 : i1 to i32
      %sign3A_172 = arith.subi %sign3A_168, %sign3A_171 : i32
      %sign3A_173 = arith.constant 0 : i32
      %sign3A_174 = arith.cmpi sgt, %jit3A_164, %sign3A_173 : i32
      %sign3A_175 = arith.extui %sign3A_174 : i1 to i32
      %sign3A_176 = arith.constant 0 : i32
      %sign3A_177 = arith.cmpi slt, %jit3A_164, %sign3A_176 : i32
      %sign3A_178 = arith.extui %sign3A_177 : i1 to i32
      %sign3A_179 = arith.subi %sign3A_175, %sign3A_178 : i32
      %ne3A_180 = arith.cmpi ne, %sign3A_172, %sign3A_179 : i32
      %rem3A_181 = arith.remsi %add3A_163, %jit3A_164 : i32
      %ne3A_182 = arith.constant 0 : i32
      %ne3A_183 = arith.cmpi ne, %rem3A_181, %ne3A_182 : i32
      %and3A_184 = arith.andi %ne3A_180, %ne3A_183 : i1
      %sub3A_185 = arith.constant 1 : i32
      %sub3A_186 = arith.subi %div3A_165, %sub3A_185 : i32
      %select_n3A_187 = arith.select %and3A_184, %sub3A_186, %div3A_165 : i32
      %add3A_188 = arith.addi %mul3A_3, %select_n3A_187 : i32
      %jit3A_189 = arith.constant 32 : i32
      %eq3A_190 = arith.constant 0 : i32
      %eq3A_191 = arith.cmpi eq, %jit3A_189, %eq3A_190 : i32
      %jit3A_192 = arith.constant 1 : i32
      %select_n3A_193 = arith.select %eq3A_191, %jit3A_192, %jit3A_189 : i32
      %rem3A_194 = arith.remsi %add3A_163, %select_n3A_193 : i32
      %ne3A_195 = arith.constant 0 : i32
      %ne3A_196 = arith.cmpi ne, %rem3A_194, %ne3A_195 : i32
      %lt3A_197 = arith.constant 0 : i32
      %lt3A_198 = arith.cmpi slt, %rem3A_194, %lt3A_197 : i32
      %lt3A_199 = arith.constant 0 : i32
      %lt3A_200 = arith.cmpi slt, %select_n3A_193, %lt3A_199 : i32
      %ne3A_201 = arith.xori %lt3A_198, %lt3A_200 : i1
      %and3A_202 = arith.andi %ne3A_201, %ne3A_196 : i1
      %add3A_203 = arith.addi %rem3A_194, %select_n3A_193 : i32
      %select_n3A_204 = arith.select %and3A_202, %add3A_203, %rem3A_194 : i32
      %mul3A_205 = arith.constant 16 : i32
      %mul3A_206 = arith.muli %select_n3A_204, %mul3A_205 : i32
      %dma_wait3A_207 = arith.constant 0 : i32
      %dma_wait3A_208 = arith.constant 0 : i32
      %dma_wait3A_209 = tpu.memref_slice %arg2[%add3A_188, %dma_wait3A_207, %mul3A_206, %dma_wait3A_208] : memref<64x1x512x512xf32, #tpu.memory_space<hbm>> -> memref<1x1x16x512xf32, #tpu.memory_space<hbm>>
      %dma_wait3A_210 = tpu.memref_squeeze %dma_wait3A_209 : memref<1x1x16x512xf32, #tpu.memory_space<hbm>> -> memref<16x512xf32, #tpu.memory_space<hbm>>
      %dma_wait3A_211 = arith.constant 0 : i32
      %dma_wait3A_212 = tpu.memref_slice %arg2[%add3A_188, %dma_wait3A_207, %mul3A_206, %dma_wait3A_211] : memref<64x1x512x512xf32, #tpu.memory_space<hbm>> -> memref<1x1x16x512xf32, #tpu.memory_space<hbm>>
      %dma_wait3A_213 = tpu.memref_squeeze %dma_wait3A_212 : memref<1x1x16x512xf32, #tpu.memory_space<hbm>> -> memref<16x512xf32, #tpu.memory_space<hbm>>
      tpu.wait_dma2 semaphore(%arg13 : memref<!tpu.dma_semaphore, #tpu.memory_space<semaphore_mem>>) src(%dma_wait3A_213 : memref<16x512xf32, #tpu.memory_space<hbm>>) dst(%arg9 : memref<16x512xf32, #tpu.memory_space<vmem>>)
      %gt3A_214 = arith.constant 0 : i32
      %gt3A_215 = arith.cmpi sgt, %scan3A_52, %gt3A_214 : i32
      %convert_element_type3A_216 = arith.extui %gt3A_215 : i1 to i32
      %cond3A_217 = arith.constant 0 : i32
      %cond3A_218 = arith.cmpi ne, %convert_element_type3A_216, %cond3A_217 : i32
      scf.if %cond3A_218 {
        %dma_wait3A_281 = arith.constant 0 : i32
        %dma_wait3A_282 = arith.constant 0 : i32
        %dma_wait3A_283 = arith.constant 0 : i32
        %dma_wait3A_284 = arith.constant 0 : i32
        %dma_wait3A_285 = tpu.memref_slice %arg5[%dma_wait3A_281, %dma_wait3A_282, %dma_wait3A_283, %dma_wait3A_284] : memref<64x3x512x512xf32, #tpu.memory_space<hbm>> -> memref<1x3x16x512xf32, #tpu.memory_space<hbm>>
        %dma_wait3A_286 = tpu.memref_squeeze %dma_wait3A_285 : memref<1x3x16x512xf32, #tpu.memory_space<hbm>> -> memref<3x16x512xf32, #tpu.memory_space<hbm>>
        %dma_wait3A_287 = arith.constant 0 : i32
        %dma_wait3A_288 = arith.constant 0 : i32
        %dma_wait3A_289 = arith.constant 0 : i32
        %dma_wait3A_290 = tpu.memref_slice %arg5[%dma_wait3A_281, %dma_wait3A_287, %dma_wait3A_288, %dma_wait3A_289] : memref<64x3x512x512xf32, #tpu.memory_space<hbm>> -> memref<1x3x16x512xf32, #tpu.memory_space<hbm>>
        %dma_wait3A_291 = tpu.memref_squeeze %dma_wait3A_290 : memref<1x3x16x512xf32, #tpu.memory_space<hbm>> -> memref<3x16x512xf32, #tpu.memory_space<hbm>>
        tpu.wait_dma2 semaphore(%arg15 : memref<!tpu.dma_semaphore, #tpu.memory_space<semaphore_mem>>) src(%dma_wait3A_291 : memref<3x16x512xf32, #tpu.memory_space<hbm>>) dst(%arg11 : memref<3x16x512xf32, #tpu.memory_space<vmem>>)
      } else {
      }
      %parallel_loop3A_219 = arith.constant 0 : i32
      %parallel_loop3A_220 = arith.constant 8192 : i32
      %parallel_loop3A_221 = arith.constant 16 : i32
      scf.for %parallel_loop3A_281 = %parallel_loop3A_219 to %parallel_loop3A_220 step %parallel_loop3A_221  : i32 {
        %parallel_loop3A_282 = arith.constant 9 : i32
        %parallel_loop3A_283 = arith.shrsi %parallel_loop3A_281, %parallel_loop3A_282 : i32
        %parallel_loop3A_284 = arith.constant 511 : i32
        %parallel_loop3A_285 = arith.andi %parallel_loop3A_281, %parallel_loop3A_284 : i32
        %parallel_loop3A_286 = arith.index_cast %parallel_loop3A_283 : i32 to index
        %parallel_loop3A_287 = arith.index_cast %parallel_loop3A_285 : i32 to index
        %parallel_loop3A_288 = tpu.vector_load %arg9[%parallel_loop3A_286, %parallel_loop3A_287] {strides = array<i32>} : memref<16x512xf32, #tpu.memory_space<vmem>>, vector<16xf32>,
        %parallel_loop3A_289 = arith.subf %parallel_loop3A_288, %get3A_1 : vector<16xf32>
        %parallel_loop3A_290 = arith.constant 2.560000e+02 : f32
        %parallel_loop3A_291 = vector.broadcast %parallel_loop3A_290 : f32 to vector<16xf32>
        %parallel_loop3A_292 = arith.mulf %parallel_loop3A_289, %parallel_loop3A_291 : vector<16xf32>
        %parallel_loop3A_293 = arith.fptosi %parallel_loop3A_292 : vector<16xf32> to vector<16xi32>
        %parallel_loop3A_294 = arith.constant 3 : i32
        %parallel_loop3A_295 = vector.broadcast %parallel_loop3A_294 : i32 to vector<16xi32>
        %parallel_loop3A_296 = arith.muli %parallel_loop3A_293, %parallel_loop3A_295 : vector<16xi32>
        %parallel_loop3A_297 = arith.constant 0 : i32
        %parallel_loop3A_298 = vector.broadcast %parallel_loop3A_297 : i32 to vector<16xi32>
        %parallel_loop3A_299 = arith.addi %parallel_loop3A_296, %parallel_loop3A_298 : vector<16xi32>
        %parallel_loop3A_300 = tpu.vector_load_idx %arg6[%parallel_loop3A_299] : memref<768xf32, #tpu.memory_space<vmem>>[vector<16xi32>], vector<16xf32>,
        %parallel_loop3A_301 = arith.constant 0 : i32
        %parallel_loop3A_302 = arith.index_cast %parallel_loop3A_301 : i32 to index
        %parallel_loop3A_303 = arith.index_cast %parallel_loop3A_283 : i32 to index
        %parallel_loop3A_304 = arith.index_cast %parallel_loop3A_285 : i32 to index
        %parallel_loop3A_305 = tpu.vector_load %arg11[%parallel_loop3A_302, %parallel_loop3A_303, %parallel_loop3A_304] {strides = array<i32>} : memref<3x16x512xf32, #tpu.memory_space<vmem>>, vector<16xf32>,
        tpu.vector_store %arg11[%parallel_loop3A_302, %parallel_loop3A_303, %parallel_loop3A_304], %parallel_loop3A_300 {strides = array<i32>} : memref<3x16x512xf32, #tpu.memory_space<vmem>>, vector<16xf32>,
        %parallel_loop3A_306 = arith.constant 1 : i32
        %parallel_loop3A_307 = vector.broadcast %parallel_loop3A_306 : i32 to vector<16xi32>
        %parallel_loop3A_308 = arith.addi %parallel_loop3A_296, %parallel_loop3A_307 : vector<16xi32>
        %parallel_loop3A_309 = tpu.vector_load_idx %arg6[%parallel_loop3A_308] : memref<768xf32, #tpu.memory_space<vmem>>[vector<16xi32>], vector<16xf32>,
        %parallel_loop3A_310 = arith.constant 1 : i32
        %parallel_loop3A_311 = arith.index_cast %parallel_loop3A_310 : i32 to index
        %parallel_loop3A_312 = arith.index_cast %parallel_loop3A_283 : i32 to index
        %parallel_loop3A_313 = arith.index_cast %parallel_loop3A_285 : i32 to index
        %parallel_loop3A_314 = tpu.vector_load %arg11[%parallel_loop3A_311, %parallel_loop3A_312, %parallel_loop3A_313] {strides = array<i32>} : memref<3x16x512xf32, #tpu.memory_space<vmem>>, vector<16xf32>,
        tpu.vector_store %arg11[%parallel_loop3A_311, %parallel_loop3A_312, %parallel_loop3A_313], %parallel_loop3A_309 {strides = array<i32>} : memref<3x16x512xf32, #tpu.memory_space<vmem>>, vector<16xf32>,
        %parallel_loop3A_315 = arith.constant 2 : i32
        %parallel_loop3A_316 = vector.broadcast %parallel_loop3A_315 : i32 to vector<16xi32>
        %parallel_loop3A_317 = arith.addi %parallel_loop3A_296, %parallel_loop3A_316 : vector<16xi32>
        %parallel_loop3A_318 = tpu.vector_load_idx %arg6[%parallel_loop3A_317] : memref<768xf32, #tpu.memory_space<vmem>>[vector<16xi32>], vector<16xf32>,
        %parallel_loop3A_319 = arith.constant 2 : i32
        %parallel_loop3A_320 = arith.index_cast %parallel_loop3A_319 : i32 to index
        %parallel_loop3A_321 = arith.index_cast %parallel_loop3A_283 : i32 to index
        %parallel_loop3A_322 = arith.index_cast %parallel_loop3A_285 : i32 to index
        %parallel_loop3A_323 = tpu.vector_load %arg11[%parallel_loop3A_320, %parallel_loop3A_321, %parallel_loop3A_322] {strides = array<i32>} : memref<3x16x512xf32, #tpu.memory_space<vmem>>, vector<16xf32>,
        tpu.vector_store %arg11[%parallel_loop3A_320, %parallel_loop3A_321, %parallel_loop3A_322], %parallel_loop3A_318 {strides = array<i32>} : memref<3x16x512xf32, #tpu.memory_space<vmem>>, vector<16xf32>,
      } {sc.loop_unroll_factor = 8 : i64, sc.parallel_access}
      %jit3A_222 = arith.constant 32 : i32
      %div3A_223 = arith.divsi %add3A_163, %jit3A_222 : i32
      %sign3A_224 = arith.constant 0 : i32
      %sign3A_225 = arith.cmpi sgt, %add3A_163, %sign3A_224 : i32
      %sign3A_226 = arith.extui %sign3A_225 : i1 to i32
      %sign3A_227 = arith.constant 0 : i32
      %sign3A_228 = arith.cmpi slt, %add3A_163, %sign3A_227 : i32
      %sign3A_229 = arith.extui %sign3A_228 : i1 to i32
      %sign3A_230 = arith.subi %sign3A_226, %sign3A_229 : i32
      %sign3A_231 = arith.constant 0 : i32
      %sign3A_232 = arith.cmpi sgt, %jit3A_222, %sign3A_231 : i32
      %sign3A_233 = arith.extui %sign3A_232 : i1 to i32
      %sign3A_234 = arith.constant 0 : i32
      %sign3A_235 = arith.cmpi slt, %jit3A_222, %sign3A_234 : i32
      %sign3A_236 = arith.extui %sign3A_235 : i1 to i32
      %sign3A_237 = arith.subi %sign3A_233, %sign3A_236 : i32
      %ne3A_238 = arith.cmpi ne, %sign3A_230, %sign3A_237 : i32
      %rem3A_239 = arith.remsi %add3A_163, %jit3A_222 : i32
      %ne3A_240 = arith.constant 0 : i32
      %ne3A_241 = arith.cmpi ne, %rem3A_239, %ne3A_240 : i32
      %and3A_242 = arith.andi %ne3A_238, %ne3A_241 : i1
      %sub3A_243 = arith.constant 1 : i32
      %sub3A_244 = arith.subi %div3A_223, %sub3A_243 : i32
      %select_n3A_245 = arith.select %and3A_242, %sub3A_244, %div3A_223 : i32
      %add3A_246 = arith.addi %mul3A_3, %select_n3A_245 : i32
      %jit3A_247 = arith.constant 32 : i32
      %eq3A_248 = arith.constant 0 : i32
      %eq3A_249 = arith.cmpi eq, %jit3A_247, %eq3A_248 : i32
      %jit3A_250 = arith.constant 1 : i32
      %select_n3A_251 = arith.select %eq3A_249, %jit3A_250, %jit3A_247 : i32
      %rem3A_252 = arith.remsi %add3A_163, %select_n3A_251 : i32
      %ne3A_253 = arith.constant 0 : i32
      %ne3A_254 = arith.cmpi ne, %rem3A_252, %ne3A_253 : i32
      %lt3A_255 = arith.constant 0 : i32
      %lt3A_256 = arith.cmpi slt, %rem3A_252, %lt3A_255 : i32
      %lt3A_257 = arith.constant 0 : i32
      %lt3A_258 = arith.cmpi slt, %select_n3A_251, %lt3A_257 : i32
      %ne3A_259 = arith.xori %lt3A_256, %lt3A_258 : i1
      %and3A_260 = arith.andi %ne3A_259, %ne3A_254 : i1
      %add3A_261 = arith.addi %rem3A_252, %select_n3A_251 : i32
      %select_n3A_262 = arith.select %and3A_260, %add3A_261, %rem3A_252 : i32
      %mul3A_263 = arith.constant 16 : i32
      %mul3A_264 = arith.muli %select_n3A_262, %mul3A_263 : i32
      %dma_start3A_265 = arith.constant 0 : i32
      %dma_start3A_266 = arith.constant 0 : i32
      %dma_start3A_267 = tpu.memref_slice %arg5[%add3A_246, %dma_start3A_265, %mul3A_264, %dma_start3A_266] : memref<64x3x512x512xf32, #tpu.memory_space<hbm>> -> memref<1x3x16x512xf32, #tpu.memory_space<hbm>>
      %dma_start3A_268 = tpu.memref_squeeze %dma_start3A_267 : memref<1x3x16x512xf32, #tpu.memory_space<hbm>> -> memref<3x16x512xf32, #tpu.memory_space<hbm>>
      %dma_start3A_269 = arith.constant 0 : i32
      %dma_start3A_270 = arith.constant 0 : i32
      %dma_start3A_271 = tpu.memref_slice %arg5[%add3A_246, %dma_start3A_269, %mul3A_264, %dma_start3A_270] : memref<64x3x512x512xf32, #tpu.memory_space<hbm>> -> memref<1x3x16x512xf32, #tpu.memory_space<hbm>>
      %dma_start3A_272 = tpu.memref_squeeze %dma_start3A_271 : memref<1x3x16x512xf32, #tpu.memory_space<hbm>> -> memref<3x16x512xf32, #tpu.memory_space<hbm>>
      tpu.enqueue_dma source(%arg11 : memref<3x16x512xf32, #tpu.memory_space<vmem>>) target(%dma_start3A_272 : memref<3x16x512xf32, #tpu.memory_space<hbm>>) target_semaphore(%arg15 : memref<!tpu.dma_semaphore, #tpu.memory_space<semaphore_mem>>)
      %add3A_273 = arith.constant 2 : i32
      %add3A_274 = arith.addi %add3A_163, %add3A_273 : i32
      %lt3A_275 = arith.constant 64 : i32
      %lt3A_276 = arith.cmpi slt, %add3A_274, %lt3A_275 : i32
      %convert_element_type3A_277 = arith.extui %lt3A_276 : i1 to i32
      %cond3A_278 = arith.constant 0 : i32
      %cond3A_279 = arith.cmpi ne, %convert_element_type3A_277, %cond3A_278 : i32
      scf.if %cond3A_279 {
        %add3A_281 = arith.constant 2 : i32
        %add3A_282 = arith.addi %add3A_163, %add3A_281 : i32
        %jit3A_283 = arith.constant 32 : i32
        %div3A_284 = arith.divsi %add3A_282, %jit3A_283 : i32
        %sign3A_285 = arith.constant 0 : i32
        %sign3A_286 = arith.cmpi sgt, %add3A_282, %sign3A_285 : i32
        %sign3A_287 = arith.extui %sign3A_286 : i1 to i32
        %sign3A_288 = arith.constant 0 : i32
        %sign3A_289 = arith.cmpi slt, %add3A_282, %sign3A_288 : i32
        %sign3A_290 = arith.extui %sign3A_289 : i1 to i32
        %sign3A_291 = arith.subi %sign3A_287, %sign3A_290 : i32
        %sign3A_292 = arith.constant 0 : i32
        %sign3A_293 = arith.cmpi sgt, %jit3A_283, %sign3A_292 : i32
        %sign3A_294 = arith.extui %sign3A_293 : i1 to i32
        %sign3A_295 = arith.constant 0 : i32
        %sign3A_296 = arith.cmpi slt, %jit3A_283, %sign3A_295 : i32
        %sign3A_297 = arith.extui %sign3A_296 : i1 to i32
        %sign3A_298 = arith.subi %sign3A_294, %sign3A_297 : i32
        %ne3A_299 = arith.cmpi ne, %sign3A_291, %sign3A_298 : i32
        %rem3A_300 = arith.remsi %add3A_282, %jit3A_283 : i32
        %ne3A_301 = arith.constant 0 : i32
        %ne3A_302 = arith.cmpi ne, %rem3A_300, %ne3A_301 : i32
        %and3A_303 = arith.andi %ne3A_299, %ne3A_302 : i1
        %sub3A_304 = arith.constant 1 : i32
        %sub3A_305 = arith.subi %div3A_284, %sub3A_304 : i32
        %select_n3A_306 = arith.select %and3A_303, %sub3A_305, %div3A_284 : i32
        %add3A_307 = arith.addi %mul3A_3, %select_n3A_306 : i32
        %jit3A_308 = arith.constant 32 : i32
        %eq3A_309 = arith.constant 0 : i32
        %eq3A_310 = arith.cmpi eq, %jit3A_308, %eq3A_309 : i32
        %jit3A_311 = arith.constant 1 : i32
        %select_n3A_312 = arith.select %eq3A_310, %jit3A_311, %jit3A_308 : i32
        %rem3A_313 = arith.remsi %add3A_282, %select_n3A_312 : i32
        %ne3A_314 = arith.constant 0 : i32
        %ne3A_315 = arith.cmpi ne, %rem3A_313, %ne3A_314 : i32
        %lt3A_316 = arith.constant 0 : i32
        %lt3A_317 = arith.cmpi slt, %rem3A_313, %lt3A_316 : i32
        %lt3A_318 = arith.constant 0 : i32
        %lt3A_319 = arith.cmpi slt, %select_n3A_312, %lt3A_318 : i32
        %ne3A_320 = arith.xori %lt3A_317, %lt3A_319 : i1
        %and3A_321 = arith.andi %ne3A_320, %ne3A_315 : i1
        %add3A_322 = arith.addi %rem3A_313, %select_n3A_312 : i32
        %select_n3A_323 = arith.select %and3A_321, %add3A_322, %rem3A_313 : i32
        %mul3A_324 = arith.constant 16 : i32
        %mul3A_325 = arith.muli %select_n3A_323, %mul3A_324 : i32
        %dma_start3A_326 = arith.constant 0 : i32
        %dma_start3A_327 = arith.constant 0 : i32
        %dma_start3A_328 = tpu.memref_slice %arg2[%add3A_307, %dma_start3A_326, %mul3A_325, %dma_start3A_327] : memref<64x1x512x512xf32, #tpu.memory_space<hbm>> -> memref<1x1x16x512xf32, #tpu.memory_space<hbm>>
        %dma_start3A_329 = tpu.memref_squeeze %dma_start3A_328 : memref<1x1x16x512xf32, #tpu.memory_space<hbm>> -> memref<16x512xf32, #tpu.memory_space<hbm>>
        %dma_start3A_330 = arith.constant 0 : i32
        %dma_start3A_331 = tpu.memref_slice %arg2[%add3A_307, %dma_start3A_326, %mul3A_325, %dma_start3A_330] : memref<64x1x512x512xf32, #tpu.memory_space<hbm>> -> memref<1x1x16x512xf32, #tpu.memory_space<hbm>>
        %dma_start3A_332 = tpu.memref_squeeze %dma_start3A_331 : memref<1x1x16x512xf32, #tpu.memory_space<hbm>> -> memref<16x512xf32, #tpu.memory_space<hbm>>
        tpu.enqueue_dma source(%dma_start3A_332 : memref<16x512xf32, #tpu.memory_space<hbm>>) target(%arg9 : memref<16x512xf32, #tpu.memory_space<vmem>>) target_semaphore(%arg13 : memref<!tpu.dma_semaphore, #tpu.memory_space<semaphore_mem>>)
      } else {
      }
      %scan3A_280 = arith.constant 0 : i32
      scf.yield %scan3A_280 : i32
    }
    %scan3A_30 = arith.constant 32 : i32
    %dma_wait3A = arith.constant 0 : i32
    %dma_wait3A_31 = arith.constant 0 : i32
    %dma_wait3A_32 = arith.constant 0 : i32
    %dma_wait3A_33 = arith.constant 0 : i32
    %dma_wait3A_34 = tpu.memref_slice %arg5[%dma_wait3A, %dma_wait3A_31, %dma_wait3A_32, %dma_wait3A_33] : memref<64x3x512x512xf32, #tpu.memory_space<hbm>> -> memref<1x3x16x512xf32, #tpu.memory_space<hbm>>
    %dma_wait3A_35 = tpu.memref_squeeze %dma_wait3A_34 : memref<1x3x16x512xf32, #tpu.memory_space<hbm>> -> memref<3x16x512xf32, #tpu.memory_space<hbm>>
    %dma_wait3A_36 = arith.constant 0 : i32
    %dma_wait3A_37 = arith.constant 0 : i32
    %dma_wait3A_38 = arith.constant 0 : i32
    %dma_wait3A_39 = tpu.memref_slice %arg5[%dma_wait3A, %dma_wait3A_36, %dma_wait3A_37, %dma_wait3A_38] : memref<64x3x512x512xf32, #tpu.memory_space<hbm>> -> memref<1x3x16x512xf32, #tpu.memory_space<hbm>>
    %dma_wait3A_40 = tpu.memref_squeeze %dma_wait3A_39 : memref<1x3x16x512xf32, #tpu.memory_space<hbm>> -> memref<3x16x512xf32, #tpu.memory_space<hbm>>
    tpu.wait_dma2 semaphore(%arg14 : memref<!tpu.dma_semaphore, #tpu.memory_space<semaphore_mem>>) src(%dma_wait3A_40 : memref<3x16x512xf32, #tpu.memory_space<hbm>>) dst(%arg10 : memref<3x16x512xf32, #tpu.memory_space<vmem>>)
    %dma_wait3A_41 = arith.constant 0 : i32
    %dma_wait3A_42 = arith.constant 0 : i32
    %dma_wait3A_43 = arith.constant 0 : i32
    %dma_wait3A_44 = arith.constant 0 : i32
    %dma_wait3A_45 = tpu.memref_slice %arg5[%dma_wait3A_41, %dma_wait3A_42, %dma_wait3A_43, %dma_wait3A_44] : memref<64x3x512x512xf32, #tpu.memory_space<hbm>> -> memref<1x3x16x512xf32, #tpu.memory_space<hbm>>
    %dma_wait3A_46 = tpu.memref_squeeze %dma_wait3A_45 : memref<1x3x16x512xf32, #tpu.memory_space<hbm>> -> memref<3x16x512xf32, #tpu.memory_space<hbm>>
    %dma_wait3A_47 = arith.constant 0 : i32
    %dma_wait3A_48 = arith.constant 0 : i32
    %dma_wait3A_49 = arith.constant 0 : i32
    %dma_wait3A_50 = tpu.memref_slice %arg5[%dma_wait3A_41, %dma_wait3A_47, %dma_wait3A_48, %dma_wait3A_49] : memref<64x3x512x512xf32, #tpu.memory_space<hbm>> -> memref<1x3x16x512xf32, #tpu.memory_space<hbm>>
    %dma_wait3A_51 = tpu.memref_squeeze %dma_wait3A_50 : memref<1x3x16x512xf32, #tpu.memory_space<hbm>> -> memref<3x16x512xf32, #tpu.memory_space<hbm>>
    tpu.wait_dma2 semaphore(%arg15 : memref<!tpu.dma_semaphore, #tpu.memory_space<semaphore_mem>>) src(%dma_wait3A_51 : memref<3x16x512xf32, #tpu.memory_space<hbm>>) dst(%arg11 : memref<3x16x512xf32, #tpu.memory_space<vmem>>)
    return
  }
}

module attributes {stable_mosaic.version = 14 : i64} {
  func.func @_min_body(%arg0: i32, %arg1: memref<8x1x512x512xf32, #tpu.memory_space<vmem>>, %arg2: memref<8x128xf32, #tpu.memory_space<vmem>>) attributes {dimension_semantics = [#tpu.dimension_semantics<arbitrary>], iteration_bounds = array<i64: 8>, scalar_prefetch = 0 : i64, scratch_operands = 0 : i64, tpu.core_type = #tpu.core_type<tc>, window_params = [{transform_indices = @transform_0, window_bounds = array<i64: 8, 1, 512, 512>}, {pipeline_mode = #tpu.pipeline_mode<synchronous>, transform_indices = @transform_1, window_bounds = array<i64: 8, 128>}]} {
    %eq3A = arith.constant 0 : i32
    %eq3A_0 = arith.cmpi eq, %arg0, %eq3A : i32
    %convert_element_type3A = arith.extui %eq3A_0 : i1 to i32
    %cond3A = arith.constant 0 : i32
    %cond3A_1 = arith.cmpi ne, %convert_element_type3A, %cond3A : i32
    scf.if %cond3A_1 {
      %broadcast_in_dim3A = arith.constant 0x7F800000 : f32
      %broadcast_in_dim3A_16 = vector.broadcast %broadcast_in_dim3A : f32 to vector<8x128xf32>
      %swap3A_17 = arith.constant 0 : index
      %swap3A_18 = arith.constant 0 : index
      %swap3A_19 = vector.load %arg2[%swap3A_17, %swap3A_18] : memref<8x128xf32, #tpu.memory_space<vmem>>, vector<8x128xf32>
      tpu.vector_store %arg2[%swap3A_17, %swap3A_18], %broadcast_in_dim3A_16 {strides = array<i32>} : memref<8x128xf32, #tpu.memory_space<vmem>>, vector<8x128xf32>,
    } else {
    }
    %get3A = arith.constant 0 : index
    %get3A_2 = arith.constant 0 : index
    %get3A_3 = vector.load %arg2[%get3A, %get3A_2] : memref<8x128xf32, #tpu.memory_space<vmem>>, vector<8x128xf32>
    %get3A_4 = arith.constant 0 : index
    %get3A_5 = arith.constant 0 : index
    %get3A_6 = arith.constant 0 : index
    %get3A_7 = arith.constant 0 : index
    %get3A_8 = vector.load %arg1[%get3A_4, %get3A_5, %get3A_6, %get3A_7] : memref<8x1x512x512xf32, #tpu.memory_space<vmem>>, vector<8x1x512x512xf32>
    %reduce_min3A = vector.shape_cast %get3A_8 : vector<8x1x512x512xf32> to vector<1x8x1x512x512xf32>
    %reduce_min3A_9 = arith.constant dense<0x7F800000> : vector<1xf32>
    %reduce_min3A_10 = vector.multi_reduction <minimumf>, %reduce_min3A, %reduce_min3A_9 [1, 2, 3, 4] : vector<1x8x1x512x512xf32> to vector<1xf32>
    %reduce_min3A_11 = vector.shape_cast %reduce_min3A_10 : vector<1xf32> to vector<1x1x1x1x1xf32>
    %reduce_min3A_12 = vector.extract %reduce_min3A_11[0, 0, 0, 0, 0] : f32 from vector<1x1x1x1x1xf32>
    %min3A = vector.broadcast %reduce_min3A_12 : f32 to vector<8x128xf32>
    %min3A_13 = arith.minimumf %get3A_3, %min3A : vector<8x128xf32>
    %swap3A = arith.constant 0 : index
    %swap3A_14 = arith.constant 0 : index
    %swap3A_15 = vector.load %arg2[%swap3A, %swap3A_14] : memref<8x128xf32, #tpu.memory_space<vmem>>, vector<8x128xf32>
    tpu.vector_store %arg2[%swap3A, %swap3A_14], %min3A_13 {strides = array<i32>} : memref<8x128xf32, #tpu.memory_space<vmem>>, vector<8x128xf32>,
    return
  }
  func.func @transform_0(%arg0: i32) -> (i32, i32, i32, i32) {
    %c0_i32 = arith.constant 0 : i32
    %c0_i32_0 = arith.constant 0 : i32
    %c0_i32_1 = arith.constant 0 : i32
    %c0_i32_2 = arith.constant 0 : i32
    return %arg0, %c0_i32, %c0_i32_0, %c0_i32_1 : i32, i32, i32, i32
  }
  func.func @transform_1(%arg0: i32) -> (i32, i32) {
    %c0_i32 = arith.constant 0 : i32
    %c0_i32_0 = arith.constant 0 : i32
    %c0_i32_1 = arith.constant 0 : i32
    return %c0_i32, %c0_i32_0 : i32, i32
  }
}

</mosaic_0001>

<sc_bundles>
// kernel: kernel.4.cloned.1.call-start
scs
__scs_entry_jumppad:
0x0: {  	(pc) =	sbr.rel $0x88, $3  }
0x1: {  	(tag) =	ssettag $0x0;
	lr =	simm.s32 $0x1  }
0x2: {  	[smem:$0x3F9F] =	sst lr;
	_ =	strace $0xD0000000  }
0x3: {  	_ = 	snop  }
0x4: {  	_ = 	snop  }
0x5: {  	_ = 	snop  }
0x6: {  	_ = 	snop  }
0x7: {  	_ = 	snop  }
__scs_overlays_trampoline_lowered:
0x8: {  	[smem:$0x3FAE] =	sst s0  }
0x9: {  	[smem:$0x3FAF] =	sst s1  }
0xa: {  	[smem:$0x3FB0] =	sst s2  }
0xb: {  	[smem:$0x3FB1] =	sst s3  }
0xc: {  	[smem:$0x3FB2] =	sst s4  }
0xd: {  	[smem:$0x3FB3] =	sst s5  }
0xe: {  	[smem:$0x3FB4] =	sst s6  }
0xf: {  	[smem:$0x3FB5] =	sst s7  }
0x10: {  	[smem:$0x3FB6] =	sst s8  }
0x11: {  	[smem:$0x3FB7] =	sst s9;
	s0 =	simm.s32 @!p0 $0x0  }
0x12: {  	s1 =	sld [smem:$0x3F9D];
	s0 =	simm.s32 @p0 $0x1  }
0x13: {  	[smem:$0x3FB8] =	sst s0;
	s0 =	simm.s32 @!p1 $0x0  }
0x14: {  	s2 =	sld [smem:$0x3F9C];
	s0 =	simm.s32 @p1 $0x1  }
0x15: {  	[smem:$0x3FB9] =	sst s0;
	s0 =	simm.s32 @!p2 $0x0  }
0x16: {  	s3 =	sld [smem:$0x3FDB];
	s0 =	simm.s32 @p2 $0x1  }
0x17: {  	s4 =	simm.s32 $0x1BF5;
	[smem:$0x3FBB] =	sst s0  }
0x18: {  	s0 =	sld [smem:$0x3F9E];
	_ =	swait.ge [sflag:s4], $0x0  }
0x19: {  	s7 =	sld [smem:$0x3F9F]  }
0x1a: {  	s8 =	sadd.s32 $0xFFFFE003, lr  }
0x1b: {  	s9 =	sadd.s32 $0xFFFFFEF7, lr;
	s5 =	simm.s32 $0xFFFFFFFF;
	p2 =	slt.u32 s8, $0xFFFFF086  }
0x1c: {  	p1 =	slt.u32 s9, $0xF7A;
	s5 =	simm.s32 @!p2 $0x0  }
0x1d: {  	s5 =	simm.s32 @p1 $0x1;
	p0 =	seq.s32 s7, s2  }
0x1e: {  	s7 =	smul.u32 @!p0 $0xF7A, s2;
	p2 =	seq.s32 @!p0 s5, $0x0  }
0x1f: {  	s9 =	smul.u32 $0xF7A, s1;
	s8 =	simm.s32 @!p0 $0x1BF5;
	p2 =	por !p2, p0  }
0x20: {  	[sflag:s8] =	ssyncset.s32 @!p0 $0xFFFFF086;
	s6 =	sadd.s32 @!p0 s3, s7;
	s7 =	simm.s32 @!p0 $0x108  }
0x21: {  	s3 =	sadd.s32 s3, s9;
	s6 =	sadd.s32 @!p0 $0x88, s6;
	s7 =	simm.s32 @p2 $0x1082  }
0x22: {  	[simem:s7], [sflag:s8] =	dma.local @!p0 [hbm:s6], $0xF7A  }
0x23: {  	s9 =	sor.u32 $0xD0000000, s2;
	s6 =	simm.s32 $0x108;
	_ =	swait.ge @!p0 [sflag:s8], $0x0  }
0x24: {  	s3 =	sadd.s32 $0x88, s3;
	s6 =	simm.s32 @!p1 $0x1082;
	[sflag:s4] =	ssyncset.s32 $0xFFFFF086  }
0x25: {  	[simem:s6], [sflag:s4] =	dma.local [hbm:s3], $0xF7A  }
0x26: {  	[smem:$0x3F9F] =	sst s1;
	(tag) =	ssettag s2;
	_ =	strace s9  }
0x27: {  	s1 =	sld [smem:$0x3FAF]  }
0x28: {  	s2 =	sld [smem:$0x3FB0]  }
0x29: {  	s4 =	sld [smem:$0x3FB2]  }
0x2a: {  	p0 =	seq.s32 s5, $0x0;
	s5 =	sld [smem:$0x3FB3]  }
0x2b: {  	s6 =	sld [smem:$0x3FB4]  }
0x2c: {  	s7 =	sld [smem:$0x3FB5]  }
0x2d: {  	s3 =	simm.s32 $0x108;
	s8 =	sld [smem:$0x3FB6]  }
0x2e: {  	s3 =	simm.s32 @!p0 $0x1082;
	s9 =	sld [smem:$0x3FB7]  }
0x2f: {  	lr =	sadd.s32 s0, s3;
	s0 =	sld [smem:$0x3FAE]  }
0x30: {  	s3 =	sld [smem:$0x3FB1]  }
0x31: {  	[smem:$0x3FBA] =	sst s10  }
0x32: {  	s10 =	sld [smem:$0x3FB8];
	_ =	sdelay $0x3  }
0x33: {  	p0 =	seq.s32 s10, $0x1;
	s10 =	sld [smem:$0x3FBA];
	_ =	sdelay $0x3  }
0x34: {  	[smem:$0x3FBA] =	sst s10  }
0x35: {  	s10 =	sld [smem:$0x3FB9];
	_ =	sdelay $0x3  }
0x36: {  	p1 =	seq.s32 s10, $0x1;
	s10 =	sld [smem:$0x3FBA];
	_ =	sdelay $0x3  }
0x37: {  	[smem:$0x3FBA] =	sst s10  }
0x38: {  	s10 =	sld [smem:$0x3FBB]  }
0x39: {  	_ = 	snop;
	(pc) =	sbr.ind lr, $3  }
0x3a: {  	_ = 	snop  }
0x3b: {  	_ = 	snop  }
0x3c: {  	p2 =	seq.s32 s10, $0x1;
	s10 =	sld [smem:$0x3FBA]  }
0x3d: {  	_ =	shalt  }
0x3e: {  	_ =	shalt  }
0x3f: {  	_ =	shalt  }
0x40: {  	_ =	shalt  }
0x41: {  	_ =	shalt  }
0x42: {  	_ =	shalt  }
0x43: {  	_ =	shalt  }
0x44: {  	_ =	shalt  }
0x45: {  	_ =	shalt  }
0x46: {  	_ =	shalt  }
0x47: {  	_ =	shalt  }
0x48: {  	_ =	shalt  }
0x49: {  	_ =	shalt  }
0x4a: {  	_ =	shalt  }
0x4b: {  	_ =	shalt  }
0x4c: {  	_ =	shalt  }
0x4d: {  	_ =	shalt  }
0x4e: {  	_ =	shalt  }
0x4f: {  	_ =	shalt  }
0x50: {  	_ =	shalt  }
0x51: {  	_ =	shalt  }
0x52: {  	_ =	shalt  }
0x53: {  	_ =	shalt  }
0x54: {  	_ =	shalt  }
0x55: {  	_ =	shalt  }
0x56: {  	_ =	shalt  }
0x57: {  	_ =	shalt  }
0x58: {  	_ =	shalt  }
0x59: {  	_ =	shalt  }
0x5a: {  	_ =	shalt  }
0x5b: {  	_ =	shalt  }
0x5c: {  	_ =	shalt  }
0x5d: {  	_ =	shalt  }
0x5e: {  	_ =	shalt  }
0x5f: {  	_ =	shalt  }
0x60: {  	_ =	shalt  }
0x61: {  	_ =	shalt  }
0x62: {  	_ =	shalt  }
0x63: {  	_ =	shalt  }
0x64: {  	_ =	shalt  }
0x65: {  	_ =	shalt  }
0x66: {  	_ =	shalt  }
0x67: {  	_ =	shalt  }
0x68: {  	_ =	shalt  }
0x69: {  	_ =	shalt  }
0x6a: {  	_ =	shalt  }
0x6b: {  	_ =	shalt  }
0x6c: {  	_ =	shalt  }
0x6d: {  	_ =	shalt  }
0x6e: {  	_ =	shalt  }
0x6f: {  	_ =	shalt  }
0x70: {  	_ =	shalt  }
0x71: {  	_ =	shalt  }
0x72: {  	_ =	shalt  }
0x73: {  	_ =	shalt  }
0x74: {  	_ =	shalt  }
0x75: {  	_ =	shalt  }
0x76: {  	_ =	shalt  }
0x77: {  	_ =	shalt  }
0x78: {  	_ =	shalt  }
0x79: {  	_ =	shalt  }
0x7a: {  	_ =	shalt  }
0x7b: {  	_ =	shalt  }
0x7c: {  	_ =	shalt  }
0x7d: {  	_ =	shalt  }
0x7e: {  	_ =	shalt  }
0x7f: {  	_ =	shalt  }
0x80: {  	_ =	shalt  }
0x81: {  	_ =	shalt  }
0x82: {  	_ =	shalt  }
0x83: {  	_ =	shalt  }
0x84: {  	_ =	shalt  }
0x85: {  	_ =	shalt  }
0x86: {  	_ =	shalt  }
0x87: {  	_ =	shalt  }
.Lfunc_end0:
.L_simem_size_0:
called_computation_lowered:
.L_overlay_start_0:
0x88: {  	s2 =	sld [smem:$0x3FD9]  }
0x89: {  	s3 =	sld [smem:$0x3FFE];
	_ =	sdelay $0x1  }
0x8a: {  	s1 =	srdreg.scid  }
0x8b: {  	s0 =	sand.u32 $0x1, s1  }
0x8c: {  	s17 =	sshll.u32 s0, $0xA;
	s2 =	sadd.s32 s3, s2  }
0x8d: {  	s2 =	sadd.s32 s2, s17  }
0x8e: {  	[smem:$0x3FC6] =	sst s2  }
0x8f: {  	_ = 	snop  }
0x90: {  	s2 =	sld [smem:$0x3FC9]  }
0x91: {  	s18 =	sld [smem:$0x3FD0];
	(tm) =	ssettm $0x1  }
0x92: {  	s4 =	sld [smem:$0x3FFB];
	_ =	sdelay $0x3  }
0x93: {  	_ =	strace s4  }
0x94: {  	s4 =	sld [smem:$0x3FFC];
	_ =	sdelay $0x3  }
0x95: {  	_ =	strace s4  }
0x96: {  	s4 =	sld [smem:$0x3FFD];
	_ =	sdelay $0x3  }
0x97: {  	_ =	strace s4  }
0x98: {  	_ =	strace $0x8FFFFFFF  }
0x99: {  	s19 =	sld [smem:$0x3FDB];
	_ =	sdelay $0x1  }
0x9a: {  	s5 =	simm.s32 $_scs_section_size  }
0x9b: {  	s6 =	simm.s32 $_size__tile_overlayer_lowered;
	s7 =	simm.s32 $_tile_overlayer_lowered  }
0x9c: {  	s22 =	simm.s32 $0x1BFF;
	s21 =	sshll.u32 s7, $0x1;
	s4 =	sadd.s32 s5, s19  }
0x9d: {  	s8 =	simm.s32 $0x0;
	s20 =	sshll.u32 s6, $0x1;
	s6 =	sadd.s32 s21, s4  }
0x9e: {  	[timem:s8], [sflag:s22] =	dma.local [hbm:s6], s20  }
0x9f: {  	_ =	swait.ge [sflag:s22], s20  }
0xa0: {  	s5 =	ssub.s32 $0x0, s20;
	[sflag:s22] =	ssyncset.done $0x0  }
0xa1: {  	[sflag:s22] =	ssyncadd.s32 s5;
	_ =	sdelay $0x1  }
0xa2: {  	s23 =	simm.s32 $0x1B8B  }
0xa3: {  	_ =	swait.ge [sflag:s23], $0x1  }
0xa4: {  	[sflag:s23] =	ssyncset.done $0x0  }
0xa5: {  	s25 =	simm.s32 $0x1B8E;
	s24 =	sld [smem:$0x3FFE];
	[sflag:s23] =	ssyncadd.s32 $0xFFFFFFFF  }
0xa6: {  	s26 =	simm.s32 $execute0_lowered;
	[smem:$0x3FD2] =	sst s25  }
0xa7: {  	s6 =	sshll.u32 s26, $0x1;
	_ =	strace $0x80000046;
	[dreg:$0x1] =	wrdreg $0xFFFFFFFF  }
0xa8: {  	s28 =	simm.s32 $_size_execute0_lowered;
	s4 =	sadd.s32 s4, s6;
	[dreg:$0x0] =	wrdreg $0x0  }
0xa9: {  	s6 =	sshll.u32 s28, $0x1;
	[dreg:$0x2] =	wrdreg s4  }
0xaa: {  	[dreg:$0x3] =	wrdreg s6  }
0xab: {  	[dreg:$0x4] =	wrdreg $0xC0  }
0xac: {  	_ =	task [dreg:s8], $0x5FFFF  }
0xad: {  	[dreg:$0x1] =	wrdreg $0xFFFFFFFF  }
0xae: {  	[dreg:$0x0] =	wrdreg $0x60  }
0xaf: {  	[dreg:$0x2] =	wrdreg s2  }
0xb0: {  	[dreg:$0x3] =	wrdreg s24  }
0xb1: {  	[dreg:$0x4] =	wrdreg s18  }
0xb2: {  	[dreg:$0x5] =	wrdreg $0x9  }
0xb3: {  	_ =	task.clear_ibuf [dreg:s8], $0x6FFFF;
	_ =	strace $0x90000046  }
0xb4: {  	s29 =	simm.s32 $0x9;
	_ =	strace $0x80000048  }
0xb5: {  	_ =	swait.ge [sflag:s29], $0x1  }
0xb6: {  	[sflag:s29] =	ssyncadd.s32 $0xFFFFFFFF  }
0xb7: {  	_ =	strace $0x90000048  }
0xb8: {  	_ =	sfence  }
0xb9: {  	s30 =	sld [smem:$0x0];
	_ =	sdelay $0x2  }
0xba: {  	s31 =	sshll.u32 s1, $0xD;
	s1 =	sshrl.u32 s1, $0x2  }
0xbb: {  	s3 =	sand.u32 $0x4000, s31;
	s1 =	sadd.s32 s1, s30  }
0xbc: {  	s0 =	sor.u32 s3, s0;
	s1 =	sshll.u32 s1, $0x11  }
0xbd: {  	s0 =	sor.u32 s1, s0  }
0xbe: {  	s0 =	sadd.s32 $0x8F2B, s0  }
0xbf: {  	[sflag:s0] =	ssyncadd.remote.s32 $0x1  }
0xc0: {  	_ =	sfence.sel $0xFFFF  }
0xc1: {  	[dreg:$0x0] =	wrdreg $0xFFFFFFFF;
	(pc) =	sbr.abs _section_cstart, $3  }
0xc2: {  	[dreg:$0x1] =	wrdreg $0xFFFFFFFF  }
0xc3: {  	_ =	task.clear_ibuf [dreg:s8], $0x2FFFF;
	_ =	strace $0x9FFFFFFF  }
0xc4: {  	(tm) =	ssettm $0x7FFFFFFF  }
0xc5: {  	_ =	shalt  }
tec
execute0_lowered:
.L_overlay_start_1:
0x0: {  	(tag) =	ssettag $0x1  }
0x1: {  	s1 =	rddreg [dreg:$0x0]  }
0x2: {  	s0 =	rddreg [dreg:$0x1]  }
0x3: {  	s3 =	rddreg [dreg:$0x2];
	s5 =	srdreg.scid  }
0x4: {  	s4 =	simm.s32 $0x0;
	s2 =	stileid.u32;
	s11 =	simm.s32 $0x5  }
0x5: {  	s13 =	simm.s32 $0x380;
	s14 =	simm.s32 $0x2380;
	s15 =	simm.s32 $0x1  }
0x6: {  	s16 =	simm.s32 $0x2000;
	s17 =	simm.s32 $0x40000;
	s18 =	simm.s32 $0x4380  }
0x7: {  	s19 =	simm.s32 $0x2;
	s20 =	simm.s32 $0x4;
	s21 =	simm.s32 $0xA380  }
0x8: {  	s22 =	simm.s32 $0x3;
	s23 =	simm.s32 $0x0;
	s5 =	sand.u32 $0x1, s5  }
.Ltmp0:
0x9: {  	s6 =	sshll.u32 s2, $0x2;
	s7 =	sshll.u32 s5, $0x1;
	(pc) =	sbr.rel .LBB2_1-.Ltmp0, $4  }
0xa: {  	[smem:$0x7FF] =	sst s4;
	s8 =	ssub.s32 $0x2, s5;
	s5 =	sor.u32 s7, s6  }
0xb: {  	_ =	strace $0x80000047;
	s9 =	sshrl.u32 s8, $0x1;
	s10 =	sshll.u32 s5, $0xF  }
0xc: {  	s6 =	sadd.s32 $0x800, s0;
	s31 =	ssub.s32 s8, s9;
	s8 =	sadd.s32 s1, s10  }
0xd: {  	s7 =	sadd.s32 $0x600, s0;
	s10 =	smax.u32 s31, $0x1;
	s9 =	sadd.s32 $0x400, s8  }
.LBB2_12:
0xe: {  	s23 =	sadd.s32 $0x1, s23  }
0xf: {  	_ =	swait.ge [sflag:s22], $0x6000;
	p0 =	sne.s32 s23, s10  }
.Ltmp1:
0x10: {  	[sflag:s22] =	ssyncset.done $0x0;
	(pc) =	sbr.rel @!p0 .LBB2_13-.Ltmp1, $4  }
0x11: {  	[sflag:s22] =	ssyncadd.s32 $0xFFFFA000  }
0x12: {  	_ =	swait.ge [sflag:s20], $0x6000  }
0x13: {  	[sflag:s20] =	ssyncset.done $0x0  }
0x14: {  	[sflag:s20] =	ssyncadd.s32 $0xFFFFA000  }
.LBB2_1:
0x15: {  	[tilespmem:s4], [sflag:$0x5] =	stream.linear.gather [hbm4b:s6+s4], $0x300, $0x38;
	[tilespmem:$0x10380] =	vst v63  }
0x16: {  	_ =	swait.ge [sflag:s11], $0x300  }
0x17: {  	[sflag:s11] =	ssyncset.done $0x0  }
0x18: {  	s0 =	simm.s32 $0x300;
	[sflag:s11] =	ssyncadd.s32 $0xFFFFFD00  }
0x19: {  	[tilespmem:s0], [sflag:$0x5] =	stream.linear.gather [hbm4b:s7+s4], $0x10, $0x38;
	[tilespmem:$0x10380] =	vst v63  }
0x1a: {  	_ =	swait.ge [sflag:s11], $0x10  }
0x1b: {  	[sflag:s11] =	ssyncset.done $0x0  }
0x1c: {  	[sflag:s11] =	ssyncadd.s32 $0xFFFFFFF0  }
0x1d: {  	v0 =	vld [tilespmem:$0x300];
	[tilespmem:s13], [sflag:$0x1] =	stream.linear.gather [hbm4b:s8+s4], $0x2000, $0x38  }
0x1e: {  	s24 =	simm.s32 $0x0  }
0x1f: {  	[tilespmem:s14], [sflag:$0x2] =	stream.linear.gather [hbm4b:s9+s4], $0x2000, $0x38;
	[tilespmem:$0x10380] =	vst v63  }
.LBB2_2:
0x20: {  	_ =	swait.ge [sflag:s15], $0x2000  }
0x21: {  	p0 =	seq.s32 s24, $0x0;
	s25 =	simm.s32 $0x0;
	[sflag:s15] =	ssyncset.done $0x0  }
0x22: {  	s26 =	simm.s32 $0x0;
	s0 =	simm.s32 @!p0 $0x3;
	[sflag:s15] =	ssyncadd.s32 $0xFFFFE000  }
0x23: {  	s26 =	sand.u32 $0x1000, s26;
	s28 =	sand.u32 $0xC00, s25;
	_ =	swait.ge @!p0 [sflag:s0], $0x6000  }
0x24: {  	s25 =	sand.u32 $0x380, s25;
	s26 =	sor.u32 s26, s28;
	[sflag:s0] =	ssyncset.done @!p0 $0x0  }
0x25: {  	s26 =	sor.u32 s25, s26;
	[sflag:s0] =	ssyncadd.s32 @!p0 $0xFFFFA000  }
0x26: {  	v1 =	vld [tilespmem:s26+$0x3F0];
	_ =	sdelay $0x4  }
0x27: {  	v1 =	vsub.f32 v1, v0;
	_ =	sdelay $0x1  }
0x28: {  	v1 =	vmul.f32 $2.560000000e+02, v1  }
0x29: {  	v2 =	vld [tilespmem:s26+$0x380]  }
0x2a: {  	v5 =	vld [tilespmem:s26+$0x3B0];
	v1 =	vtrunc.f32 v1  }
0x2b: {  	v3 =	vld [tilespmem:s26+$0x390];
	v1 =	vcvt.f32.s32 v1  }
0x2c: {  	v6 =	vld [tilespmem:s26+$0x3C0]  }
0x2d: {  	v1 =	vmul.u32 $0x3, v1;
	_ =	sdelay $0x1  }
0x2e: {  	v5 =	vsub.f32 v5, v0  }
0x2f: {  	v4 =	vld [tilespmem:s26+$0x3A0];
	v2 =	vsub.f32 v2, v0;
	v3 =	vsub.f32 v3, v0  }
0x30: {  	s29 =	simm.s32 $0x80;
	s30 =	simm.s32 $0x400;
	v6 =	vsub.f32 v6, v0;
	v5 =	vmul.f32 $2.560000000e+02, v5  }
0x31: {  	s31 =	simm.s32 $0x20;
	s2 =	sand.u32 $0x1000, s29;
	s12 =	sand.u32 $0xC00, s30;
	v9 =	vld [tilespmem:s26+$0x3D0];
	v2 =	vmul.f32 $2.560000000e+02, v2;
	v3 =	vmul.f32 $2.560000000e+02, v3  }
0x32: {  	s0 =	sor.u32 s2, s12;
	s2 =	sand.u32 $0x380, s31;
	v6 =	vmul.f32 $2.560000000e+02, v6;
	v5 =	vtrunc.f32 v5;
	v7 =	vld.idx.msk [tilespmem:v1+s4+$0x0], $0xffff  }
0x33: {  	v10 =	vld [tilespmem:s26+$0x3E0];
	s28 =	sor.u32 s2, s0;
	v3 =	vtrunc.f32 v3;
	v5 =	vcvt.f32.s32 v5;
	v8 =	vadd.s32 $0x1, v1  }
0x34: {  	v15 =	vld [tilespmem:s28+$0x3F0];
	v4 =	vsub.f32 v4, v0;
	v2 =	vtrunc.f32 v2;
	v3 =	vcvt.f32.s32 v3  }
0x35: {  	v16 =	vld [tilespmem:s28+$0x390];
	v6 =	vtrunc.f32 v6;
	v2 =	vcvt.f32.s32 v2;
	v5 =	vmul.u32 $0x3, v5  }
0x36: {  	v20 =	vld [tilespmem:s28+$0x3B0];
	v4 =	vmul.f32 $2.560000000e+02, v4;
	v6 =	vcvt.f32.s32 v6;
	v3 =	vmul.u32 $0x3, v3  }
0x37: {  	v23 =	vld [tilespmem:s28+$0x3C0];
	v2 =	vmul.u32 $0x3, v2;
	[tilespmem:s26+$0x43F0] =	vst v7  }
0x38: {  	v4 =	vtrunc.f32 v4;
	v11 =	vmul.u32 $0x3, v6;
	v6 =	vld.idx.msk [tilespmem:v8+s4+$0x0], $0xffff  }
0x39: {  	v26 =	vld [tilespmem:s28+$0x3D0];
	v10 =	vsub.f32 v10, v0;
	v4 =	vcvt.f32.s32 v4;
	v8 =	vsub.f32 v9, v0  }
0x3a: {  	v28 =	vld [tilespmem:s28+$0x3E0];
	v1 =	vadd.s32 $0x2, v1  }
0x3b: {  	v10 =	vmul.f32 $2.560000000e+02, v10;
	v4 =	vmul.u32 $0x3, v4;
	v13 =	vld.idx.msk [tilespmem:v5+s4+$0x0], $0xffff;
	v8 =	vmul.f32 $2.560000000e+02, v8  }
0x3c: {  	v9 =	vld.idx.msk [tilespmem:v3+s4+$0x0], $0xffff  }
0x3d: {  	v15 =	vsub.f32 v15, v0;
	v7 =	vld.idx.msk [tilespmem:v2+s4+$0x0], $0xffff;
	v8 =	vtrunc.f32 v8;
	[tilespmem:s26+$0x63F0] =	vst v6;
	v6 =	vtrunc.f32 v10  }
0x3e: {  	v18 =	vadd.s32 $0x1, v2;
	v8 =	vcvt.f32.s32 v8;
	v10 =	vld [tilespmem:s28+$0x380];
	v6 =	vcvt.f32.s32 v6  }
0x3f: {  	v16 =	vsub.f32 v16, v0;
	v15 =	vmul.f32 $2.560000000e+02, v15;
	v19 =	vadd.s32 $0x1, v3;
	v1 =	vld.idx.msk [tilespmem:v1+s4+$0x0], $0xffff  }
0x40: {  	v22 =	vadd.s32 $0x1, v5;
	v8 =	vmul.u32 $0x3, v8;
	v17 =	vmul.u32 $0x3, v6;
	v6 =	vld [tilespmem:s28+$0x3A0]  }
0x41: {  	v15 =	vtrunc.f32 v15;
	v12 =	vld.idx.msk [tilespmem:v4+s4+$0x0], $0xffff;
	[tilespmem:s26+$0x4390] =	vst v9;
	v9 =	vmul.f32 $2.560000000e+02, v16;
	v16 =	vsub.f32 v20, v0  }
0x42: {  	v15 =	vcvt.f32.s32 v15;
	v21 =	vadd.s32 $0x1, v4;
	v14 =	vld.idx.msk [tilespmem:v11+s4+$0x0], $0xffff;
	[tilespmem:s26+$0x4380] =	vst v7  }
0x43: {  	v24 =	vadd.s32 $0x1, v11;
	[tilespmem:s26+$0x43B0] =	vst v13;
	v18 =	vld.idx.msk [tilespmem:v18+s4+$0x0], $0xffff;
	v13 =	vmul.f32 $2.560000000e+02, v16;
	v16 =	vsub.f32 v26, v0  }
0x44: {  	v5 =	vadd.s32 $0x2, v5;
	v2 =	vadd.s32 $0x2, v2;
	v19 =	vld.idx.msk [tilespmem:v19+s4+$0x0], $0xffff;
	v10 =	vsub.f32 v10, v0  }
0x45: {  	[tilespmem:s26+$0x83F0] =	vst v1;
	v1 =	vtrunc.f32 v9;
	v9 =	vmul.f32 $2.560000000e+02, v16;
	v16 =	vld.idx.msk [tilespmem:v22+s4+$0x0], $0xffff;
	v6 =	vsub.f32 v6, v0  }
0x46: {  	[tilespmem:s26+$0x43A0] =	vst v12;
	v3 =	vadd.s32 $0x2, v3;
	v25 =	vadd.s32 $0x1, v8;
	v7 =	vmul.f32 $2.560000000e+02, v10;
	v10 =	vld.idx.msk [tilespmem:v8+s4+$0x0], $0xffff  }
0x47: {  	[tilespmem:s26+$0x43C0] =	vst v14;
	v1 =	vcvt.f32.s32 v1;
	v20 =	vld.idx.msk [tilespmem:v17+s4+$0x0], $0xffff;
	v12 =	vmul.f32 $2.560000000e+02, v6;
	v6 =	vsub.f32 v23, v0  }
0x48: {  	v27 =	vadd.s32 $0x1, v17;
	[tilespmem:s26+$0x6380] =	vst v18;
	v22 =	vld.idx.msk [tilespmem:v24+s4+$0x0], $0xffff;
	v9 =	vtrunc.f32 v9;
	v7 =	vtrunc.f32 v7  }
0x49: {  	v2 =	vld.idx.msk [tilespmem:v2+s4+$0x0], $0xffff;
	v23 =	vsub.f32 v28, v0;
	v14 =	vmul.f32 $2.560000000e+02, v6;
	v6 =	vmul.u32 $0x3, v15  }
0x4a: {  	v4 =	vadd.s32 $0x2, v4;
	[tilespmem:s26+$0x6390] =	vst v19;
	v9 =	vcvt.f32.s32 v9;
	v7 =	vcvt.f32.s32 v7;
	v15 =	vld.idx.msk [tilespmem:v21+s4+$0x0], $0xffff  }
0x4b: {  	v11 =	vadd.s32 $0x2, v11;
	v28 =	vld.idx.msk [tilespmem:v3+s4+$0x0], $0xffff;
	v12 =	vtrunc.f32 v12;
	v21 =	vmul.f32 $2.560000000e+02, v23;
	[tilespmem:s26+$0x43D0] =	vst v10  }
0x4c: {  	v8 =	vadd.s32 $0x2, v8;
	v10 =	vtrunc.f32 v13;
	v13 =	vtrunc.f32 v14;
	v14 =	vld.idx.msk [tilespmem:v25+s4+$0x0], $0xffff;
	[tilespmem:s26+$0x43E0] =	vst v20  }
0x4d: {  	[tilespmem:s26+$0x63B0] =	vst v16;
	v12 =	vcvt.f32.s32 v12;
	v21 =	vtrunc.f32 v21;
	v25 =	vadd.s32 $0x2, v17;
	v24 =	vld.idx.msk [tilespmem:v27+s4+$0x0], $0xffff  }
0x4e: {  	[tilespmem:s26+$0x63C0] =	vst v22;
	v22 =	vld.idx.msk [tilespmem:v5+s4+$0x0], $0xffff;
	v10 =	vcvt.f32.s32 v10;
	v20 =	vmul.u32 $0x3, v1;
	v27 =	vmul.u32 $0x3, v7  }
0x4f: {  	v16 =	vadd.s32 $0x1, v6;
	v17 =	vmul.u32 $0x3, v9;
	v7 =	vcvt.f32.s32 v13;
	[tilespmem:s26+$0x63A0] =	vst v15;
	v26 =	vld.idx.msk [tilespmem:v6+s4+$0x0], $0xffff  }
0x50: {  	[tilespmem:s26+$0x8380] =	vst v2;
	v1 =	vcvt.f32.s32 v21;
	v21 =	vmul.u32 $0x3, v12;
	v19 =	vmul.u32 $0x3, v10;
	v29 =	vld.idx.msk [tilespmem:v4+s4+$0x0], $0xffff  }
0x51: {  	v23 =	vld.idx.msk [tilespmem:v11+s4+$0x0], $0xffff;
	v9 =	vadd.s32 $0x1, v17;
	v5 =	vadd.s32 $0x2, v20;
	v18 =	vmul.u32 $0x3, v7;
	[tilespmem:s26+$0x63D0] =	vst v14  }
0x52: {  	v10 =	vmul.u32 $0x3, v1;
	v15 =	vadd.s32 $0x1, v20;
	v13 =	vadd.s32 $0x1, v21;
	[tilespmem:s26+$0x63E0] =	vst v24;
	v24 =	vld.idx.msk [tilespmem:v8+s4+$0x0], $0xffff  }
0x53: {  	[tilespmem:s26+$0x8390] =	vst v28;
	v3 =	vadd.s32 $0x2, v21;
	v1 =	vadd.s32 $0x2, v17;
	v11 =	vadd.s32 $0x1, v19;
	v25 =	vld.idx.msk [tilespmem:v25+s4+$0x0], $0xffff  }
0x54: {  	s12 =	sshrl.u32 s24, $0x4;
	v4 =	vadd.s32 $0x2, v19;
	v14 =	vadd.s32 $0x1, v27;
	v8 =	vadd.s32 $0x2, v27;
	v27 =	vld.idx.msk [tilespmem:v27+s4+$0x0], $0xffff;
	[tilespmem:s28+$0x43F0] =	vst v26  }
0x55: {  	s25 =	sshll.u32 s24, $0x1;
	s0 =	sor.u32 s5, s12;
	v12 =	vadd.s32 $0x1, v18;
	v7 =	vadd.s32 $0x1, v10;
	v2 =	vadd.s32 $0x2, v18;
	[tilespmem:s26+$0x83A0] =	vst v29;
	v26 =	vld.idx.msk [tilespmem:v16+s4+$0x0], $0xffff  }
.LBB2_3:
0x56: {  	s29 =	sadd.s32 $0x80, s29;
	v20 =	vld.idx.msk [tilespmem:v20+s4+$0x0], $0xffff;
	v16 =	vadd.s32 $0x2, v10;
	v6 =	vadd.s32 $0x2, v6;
	s30 =	sadd.s32 $0x400, s30;
	[tilespmem:s26+$0x83B0] =	vst v22  }
0x57: {  	s31 =	sadd.s32 $0x20, s31;
	s2 =	sand.u32 $0x1000, s29;
	s12 =	sand.u32 $0xC00, s30;
	v21 =	vld.idx.msk [tilespmem:v21+s4+$0x0], $0xffff;
	[tilespmem:s26+$0x83C0] =	vst v23  }
0x58: {  	p1 =	slt.u32 s29, $0x1F80;
	s2 =	sor.u32 s2, s12;
	s12 =	sand.u32 $0x380, s31;
	v19 =	vld.idx.msk [tilespmem:v19+s4+$0x0], $0xffff;
	[tilespmem:s26+$0x83D0] =	vst v24  }
0x59: {  	v18 =	vld.idx.msk [tilespmem:v18+s4+$0x0], $0xffff;
	[tilespmem:s26+$0x83E0] =	vst v25;
	s26 =	smov.u32 s28;
	s28 =	sor.u32 s12, s2  }
0x5a: {  	v22 =	vld [tilespmem:s28+$0x3F0];
	[tilespmem:s26+$0x63F0] =	vst v26  }
0x5b: {  	[tilespmem:s26+$0x4380] =	vst v27;
	v6 =	vld.idx.msk [tilespmem:v6+s4+$0x0], $0xffff  }
0x5c: {  	v23 =	vld [tilespmem:s28+$0x380];
	[tilespmem:s26+$0x4390] =	vst v20  }
0x5d: {  	v20 =	vld [tilespmem:s28+$0x390];
	[tilespmem:s26+$0x43A0] =	vst v21  }
0x5e: {  	v21 =	vld [tilespmem:s28+$0x3A0];
	[tilespmem:s26+$0x43B0] =	vst v19  }
0x5f: {  	v19 =	vld [tilespmem:s28+$0x3B0];
	[tilespmem:s26+$0x43C0] =	vst v18  }
0x60: {  	v22 =	vsub.f32 v22, v0;
	v18 =	vld [tilespmem:s28+$0x3C0]  }
0x61: {  	v23 =	vsub.f32 v23, v0;
	v24 =	vld [tilespmem:s28+$0x3D0];
	[tilespmem:s26+$0x83F0] =	vst v6  }
0x62: {  	v22 =	vmul.f32 $2.560000000e+02, v22;
	v6 =	vsub.f32 v20, v0;
	v20 =	vld [tilespmem:s28+$0x3E0]  }
0x63: {  	v23 =	vmul.f32 $2.560000000e+02, v23;
	v21 =	vsub.f32 v21, v0;
	v17 =	vld.idx.msk [tilespmem:v17+s4+$0x0], $0xffff  }
0x64: {  	v25 =	vmul.f32 $2.560000000e+02, v6;
	v6 =	vsub.f32 v19, v0;
	v19 =	vtrunc.f32 v22;
	v10 =	vld.idx.msk [tilespmem:v10+s4+$0x0], $0xffff  }
0x65: {  	v21 =	vmul.f32 $2.560000000e+02, v21;
	v18 =	vsub.f32 v18, v0;
	v19 =	vcvt.f32.s32 v19;
	v14 =	vld.idx.msk [tilespmem:v14+s4+$0x0], $0xffff  }
0x66: {  	v22 =	vtrunc.f32 v23;
	v23 =	vmul.f32 $2.560000000e+02, v6;
	v24 =	vsub.f32 v24, v0;
	v15 =	vld.idx.msk [tilespmem:v15+s4+$0x0], $0xffff  }
0x67: {  	v18 =	vmul.f32 $2.560000000e+02, v18;
	v20 =	vsub.f32 v20, v0;
	v6 =	vmul.u32 $0x3, v19;
	v13 =	vld.idx.msk [tilespmem:v13+s4+$0x0], $0xffff  }
0x68: {  	v19 =	vtrunc.f32 v25;
	v24 =	vmul.f32 $2.560000000e+02, v24;
	v11 =	vld.idx.msk [tilespmem:v11+s4+$0x0], $0xffff  }
0x69: {  	v21 =	vtrunc.f32 v21;
	v20 =	vmul.f32 $2.560000000e+02, v20;
	v12 =	vld.idx.msk [tilespmem:v12+s4+$0x0], $0xffff;
	[tilespmem:s26+$0x43D0] =	vst v17  }
0x6a: {  	v17 =	vtrunc.f32 v23;
	v18 =	vtrunc.f32 v18;
	v9 =	vld.idx.msk [tilespmem:v9+s4+$0x0], $0xffff;
	[tilespmem:s26+$0x43E0] =	vst v10  }
0x6b: {  	v10 =	vtrunc.f32 v24;
	v23 =	vtrunc.f32 v20;
	[tilespmem:s26+$0x6380] =	vst v14;
	v7 =	vld.idx.msk [tilespmem:v7+s4+$0x0], $0xffff  }
0x6c: {  	v19 =	vcvt.f32.s32 v19;
	v14 =	vcvt.f32.s32 v22;
	v8 =	vld.idx.msk [tilespmem:v8+s4+$0x0], $0xffff;
	[tilespmem:s26+$0x6390] =	vst v15  }
0x6d: {  	v17 =	vcvt.f32.s32 v17;
	v15 =	vcvt.f32.s32 v21;
	v25 =	vld.idx.msk [tilespmem:v6+s4+$0x0], $0xffff;
	[tilespmem:s26+$0x63A0] =	vst v13  }
0x6e: {  	v10 =	vcvt.f32.s32 v10;
	v27 =	vmul.u32 $0x3, v14;
	v13 =	vcvt.f32.s32 v18;
	v28 =	vld.idx.msk [tilespmem:v5+s4+$0x0], $0xffff;
	[tilespmem:s26+$0x63B0] =	vst v11  }
0x6f: {  	v26 =	vadd.s32 $0x1, v6;
	v20 =	vmul.u32 $0x3, v19;
	v5 =	vcvt.f32.s32 v23;
	v29 =	vld.idx.msk [tilespmem:v3+s4+$0x0], $0xffff;
	[tilespmem:s26+$0x63C0] =	vst v12  }
0x70: {  	v19 =	vmul.u32 $0x3, v17;
	v21 =	vmul.u32 $0x3, v15;
	v18 =	vmul.u32 $0x3, v13;
	v22 =	vld.idx.msk [tilespmem:v4+s4+$0x0], $0xffff;
	[tilespmem:s26+$0x63D0] =	vst v9  }
.Ltmp2:
0x71: {  	v17 =	vmul.u32 $0x3, v10;
	v14 =	vadd.s32 $0x1, v27;
	v10 =	vmul.u32 $0x3, v5;
	v23 =	vld.idx.msk [tilespmem:v2+s4+$0x0], $0xffff;
	[tilespmem:s26+$0x63E0] =	vst v7;
	(pc) =	sbr.rel @p1 .LBB2_3-.Ltmp2, $4  }
0x72: {  	v15 =	vadd.s32 $0x1, v20;
	v11 =	vadd.s32 $0x1, v19;
	v13 =	vadd.s32 $0x1, v21;
	[tilespmem:s26+$0x8380] =	vst v8;
	v24 =	vld.idx.msk [tilespmem:v1+s4+$0x0], $0xffff  }
0x73: {  	v9 =	vadd.s32 $0x1, v17;
	v12 =	vadd.s32 $0x1, v18;
	v7 =	vadd.s32 $0x1, v10;
	[tilespmem:s28+$0x43F0] =	vst v25;
	v25 =	vld.idx.msk [tilespmem:v16+s4+$0x0], $0xffff  }
0x74: {  	v5 =	vadd.s32 $0x2, v20;
	v3 =	vadd.s32 $0x2, v21;
	v8 =	vadd.s32 $0x2, v27;
	v26 =	vld.idx.msk [tilespmem:v26+s4+$0x0], $0xffff;
	[tilespmem:s26+$0x8390] =	vst v28  }
0x75: {  	v4 =	vadd.s32 $0x2, v19;
	v2 =	vadd.s32 $0x2, v18;
	v1 =	vadd.s32 $0x2, v17;
	v27 =	vld.idx.msk [tilespmem:v27+s4+$0x0], $0xffff;
	[tilespmem:s26+$0x83A0] =	vst v29  }
0x76: {  	_ =	sdelay $0x2  }
0x77: {  	[tilespmem:s26+$0x83B0] =	vst v22  }
0x78: {  	v16 =	vld.idx.msk [tilespmem:v20+s4+$0x0], $0xffff;
	[tilespmem:s26+$0x83C0] =	vst v23  }
0x79: {  	v6 =	vadd.s32 $0x2, v6;
	v59 =	vld.idx.msk [tilespmem:v21+s4+$0x0], $0xffff;
	[tilespmem:s26+$0x83D0] =	vst v24  }
0x7a: {  	v19 =	vld.idx.msk [tilespmem:v19+s4+$0x0], $0xffff;
	[tilespmem:s26+$0x83E0] =	vst v25  }
0x7b: {  	v18 =	vld.idx.msk [tilespmem:v18+s4+$0x0], $0xffff;
	[tilespmem:s28+$0x63F0] =	vst v26  }
0x7c: {  	v60 =	vld.idx.msk [tilespmem:v17+s4+$0x0], $0xffff;
	[tilespmem:s28+$0x4380] =	vst v27  }
0x7d: {  	v61 =	vld.idx.msk [tilespmem:v10+s4+$0x0], $0xffff;
	[tilespmem:s28+$0x4390] =	vst v16  }
0x7e: {  	v6 =	vld.idx.msk [tilespmem:v6+s4+$0x0], $0xffff;
	[tilespmem:s28+$0x43A0] =	vst v59  }
0x7f: {  	[tilespmem:s28+$0x43B0] =	vst v19;
	v14 =	vld.idx.msk [tilespmem:v14+s4+$0x0], $0xffff  }
0x80: {  	[tilespmem:s28+$0x43C0] =	vst v18;
	v15 =	vld.idx.msk [tilespmem:v15+s4+$0x0], $0xffff  }
0x81: {  	[tilespmem:s28+$0x43D0] =	vst v60;
	v62 =	vld.idx.msk [tilespmem:v13+s4+$0x0], $0xffff  }
0x82: {  	[tilespmem:s28+$0x43E0] =	vst v61;
	v11 =	vld.idx.msk [tilespmem:v11+s4+$0x0], $0xffff  }
0x83: {  	v12 =	vld.idx.msk [tilespmem:v12+s4+$0x0], $0xffff;
	[tilespmem:s28+$0x83F0] =	vst v6  }
0x84: {  	v9 =	vld.idx.msk [tilespmem:v9+s4+$0x0], $0xffff;
	[tilespmem:s28+$0x6380] =	vst v14  }
0x85: {  	v7 =	vld.idx.msk [tilespmem:v7+s4+$0x0], $0xffff;
	[tilespmem:s28+$0x6390] =	vst v15  }
0x86: {  	v8 =	vld.idx.msk [tilespmem:v8+s4+$0x0], $0xffff;
	[tilespmem:s28+$0x63A0] =	vst v62  }
0x87: {  	v63 =	vadd.s32 $0x2, v10;
	[tilespmem:s28+$0x63B0] =	vst v11;
	v5 =	vld.idx.msk [tilespmem:v5+s4+$0x0], $0xffff  }
0x88: {  	[tilespmem:s28+$0x63C0] =	vst v12;
	v3 =	vld.idx.msk [tilespmem:v3+s4+$0x0], $0xffff  }
0x89: {  	[tilespmem:s28+$0x63D0] =	vst v9;
	v4 =	vld.idx.msk [tilespmem:v4+s4+$0x0], $0xffff  }
0x8a: {  	[tilespmem:s28+$0x63E0] =	vst v7;
	v2 =	vld.idx.msk [tilespmem:v2+s4+$0x0], $0xffff  }
0x8b: {  	v1 =	vld.idx.msk [tilespmem:v1+s4+$0x0], $0xffff;
	[tilespmem:s28+$0x8380] =	vst v8  }
0x8c: {  	v6 =	vld.idx.msk [tilespmem:v63+s4+$0x0], $0xffff;
	[tilespmem:s28+$0x8390] =	vst v5  }
0x8d: {  	s0 =	smul.u32 $0xC0000, s0;
	s2 =	sshll.u32 s24, $0xE;
	p1 =	sne.s32 s24, $0x1F;
	[tilespmem:s28+$0x83A0] =	vst v3  }
.Ltmp3:
0x8e: {  	s2 =	sand.u32 $0x3C000, s2;
	[tilespmem:s28+$0x83B0] =	vst v4;
	(pc) =	sbr.rel @p1 .LBB2_6-.Ltmp3, $4  }
0x8f: {  	s0 =	sor.u32 s2, s0;
	[tilespmem:s28+$0x83C0] =	vst v2  }
0x90: {  	s26 =	sshrl.u32 s0, $0x3;
	[tilespmem:s28+$0x83D0] =	vst v1  }
0x91: {  	s0 =	sadd.s32 s3, s26;
	[tilespmem:s28+$0x83E0] =	vst v6  }
0x92: {  	[hbm4b:s0+s16] =	stream.strided.scatter [tilespmem:s18], [sflag:$0x3], $0x6000, s17, s16, $0x38;
	[tilespmem:$0x10380] =	vst v63  }
.Ltmp4:
0x93: {  	(pc) =	sbr.rel .LBB2_7-.Ltmp4, $4  }
0x94: {  	_ = 	snop  }
0x95: {  	_ =	swait.ge [sflag:s19], $0x2000  }
0x96: {  	[sflag:s19] =	ssyncset.done $0x0  }
0x97: {  	[sflag:s19] =	ssyncadd.s32 $0xFFFFE000  }
.LBB2_6:
0x98: {  	s0 =	sadd.s32 $0x2, s25  }
0x99: {  	s2 =	sshrl.u32 s0, $0x5;
	s0 =	sshll.u32 s0, $0xA  }
0x9a: {  	s2 =	sadd.s32 s5, s2;
	s0 =	sand.u32 $0x7800, s0  }
0x9b: {  	s2 =	sshll.u32 s2, $0xF;
	s0 =	sadd.s32 s1, s0  }
.Ltmp5:
0x9c: {  	s0 =	sadd.s32 s2, s0;
	(pc) =	sbr.rel @p0 .LBB2_8-.Ltmp5, $4  }
0x9d: {  	[tilespmem:s13], [sflag:$0x1] =	stream.linear.gather [hbm4b:s0+s4], $0x2000, $0x38;
	[tilespmem:$0x10380] =	vst v63  }
0x9e: {  	_ =	swait.ge [sflag:s19], $0x2000  }
0x9f: {  	[sflag:s19] =	ssyncset.done $0x0  }
0xa0: {  	[sflag:s19] =	ssyncadd.s32 $0xFFFFE000  }
.LBB2_7:
0xa1: {  	_ =	swait.ge [sflag:s20], $0x6000  }
0xa2: {  	[sflag:s20] =	ssyncset.done $0x0  }
0xa3: {  	[sflag:s20] =	ssyncadd.s32 $0xFFFFA000  }
.LBB2_8:
0xa4: {  	s0 =	simm.s32 $0x0;
	s2 =	simm.s32 $0x0  }
0xa5: {  	s2 =	sand.u32 $0x1000, s2;
	s12 =	sand.u32 $0xC00, s0  }
0xa6: {  	s0 =	sand.u32 $0x380, s0;
	s2 =	sor.u32 s2, s12  }
0xa7: {  	s28 =	sor.u32 s0, s2  }
0xa8: {  	v1 =	vld [tilespmem:s28+$0x23F0];
	_ =	sdelay $0x4  }
0xa9: {  	v1 =	vsub.f32 v1, v0;
	_ =	sdelay $0x1  }
0xaa: {  	v2 =	vld [tilespmem:s28+$0x2380];
	v1 =	vmul.f32 $2.560000000e+02, v1  }
0xab: {  	v3 =	vld [tilespmem:s28+$0x2390]  }
0xac: {  	v5 =	vld [tilespmem:s28+$0x23B0];
	v1 =	vtrunc.f32 v1  }
0xad: {  	v6 =	vld [tilespmem:s28+$0x23C0];
	v1 =	vcvt.f32.s32 v1;
	_ =	sdelay $0x1  }
0xae: {  	v1 =	vmul.u32 $0x3, v1  }
0xaf: {  	v3 =	vsub.f32 v3, v0  }
0xb0: {  	v2 =	vsub.f32 v2, v0;
	v5 =	vsub.f32 v5, v0  }
0xb1: {  	v6 =	vsub.f32 v6, v0;
	v3 =	vmul.f32 $2.560000000e+02, v3  }
0xb2: {  	s30 =	simm.s32 $0x80;
	s31 =	simm.s32 $0x400;
	v4 =	vld [tilespmem:s28+$0x23A0];
	v2 =	vmul.f32 $2.560000000e+02, v2;
	v5 =	vmul.f32 $2.560000000e+02, v5  }
0xb3: {  	s12 =	sand.u32 $0xC00, s31;
	s2 =	sand.u32 $0x1000, s30;
	s0 =	simm.s32 $0x20;
	v9 =	vld [tilespmem:s28+$0x23D0];
	v6 =	vmul.f32 $2.560000000e+02, v6;
	v3 =	vtrunc.f32 v3  }
0xb4: {  	s2 =	sor.u32 s2, s12;
	s12 =	sand.u32 $0x380, s0;
	v5 =	vtrunc.f32 v5;
	v3 =	vcvt.f32.s32 v3;
	v7 =	vld.idx.msk [tilespmem:v1+s4+$0x0], $0xffff  }
0xb5: {  	v10 =	vld [tilespmem:s28+$0x23E0];
	s29 =	sor.u32 s12, s2;
	v6 =	vtrunc.f32 v6;
	v5 =	vcvt.f32.s32 v5;
	v8 =	vadd.s32 $0x1, v1  }
0xb6: {  	v15 =	vld [tilespmem:s29+$0x23F0];
	v2 =	vtrunc.f32 v2;
	v6 =	vcvt.f32.s32 v6;
	v3 =	vmul.u32 $0x3, v3  }
0xb7: {  	v16 =	vld [tilespmem:s29+$0x2390];
	v4 =	vsub.f32 v4, v0;
	v2 =	vcvt.f32.s32 v2;
	v5 =	vmul.u32 $0x3, v5  }
0xb8: {  	v20 =	vld [tilespmem:s29+$0x23B0];
	v11 =	vmul.u32 $0x3, v6  }
0xb9: {  	v23 =	vld [tilespmem:s29+$0x23C0];
	v4 =	vmul.f32 $2.560000000e+02, v4;
	v2 =	vmul.u32 $0x3, v2;
	[tilespmem:s28+$0xA3F0] =	vst v7  }
0xba: {  	v6 =	vld.idx.msk [tilespmem:v8+s4+$0x0], $0xffff  }
0xbb: {  	v26 =	vld [tilespmem:s29+$0x23D0];
	v10 =	vsub.f32 v10, v0;
	v4 =	vtrunc.f32 v4;
	v8 =	vsub.f32 v9, v0  }
0xbc: {  	v15 =	vsub.f32 v15, v0;
	v4 =	vcvt.f32.s32 v4;
	v1 =	vadd.s32 $0x2, v1;
	v9 =	vld.idx.msk [tilespmem:v3+s4+$0x0], $0xffff  }
0xbd: {  	v10 =	vmul.f32 $2.560000000e+02, v10;
	v13 =	vld.idx.msk [tilespmem:v5+s4+$0x0], $0xffff;
	v8 =	vmul.f32 $2.560000000e+02, v8  }
0xbe: {  	v15 =	vmul.f32 $2.560000000e+02, v15;
	v4 =	vmul.u32 $0x3, v4;
	v14 =	vld.idx.msk [tilespmem:v11+s4+$0x0], $0xffff  }
0xbf: {  	v16 =	vsub.f32 v16, v0;
	v7 =	vld.idx.msk [tilespmem:v2+s4+$0x0], $0xffff;
	v8 =	vtrunc.f32 v8;
	[tilespmem:s28+$0xC3F0] =	vst v6;
	v6 =	vtrunc.f32 v10  }
0xc0: {  	v18 =	vadd.s32 $0x1, v2;
	v8 =	vcvt.f32.s32 v8;
	v10 =	vld [tilespmem:s29+$0x2380];
	v6 =	vcvt.f32.s32 v6  }
0xc1: {  	v22 =	vadd.s32 $0x1, v5;
	v24 =	vadd.s32 $0x1, v11;
	[tilespmem:s28+$0xA390] =	vst v9;
	v9 =	vmul.f32 $2.560000000e+02, v16;
	v1 =	vld.idx.msk [tilespmem:v1+s4+$0x0], $0xffff  }
0xc2: {  	v16 =	vsub.f32 v20, v0;
	v8 =	vmul.u32 $0x3, v8;
	v17 =	vmul.u32 $0x3, v6;
	v6 =	vld [tilespmem:s29+$0x23A0]  }
0xc3: {  	v28 =	vld [tilespmem:s29+$0x23E0];
	[tilespmem:s28+$0xA3B0] =	vst v13  }
0xc4: {  	v15 =	vtrunc.f32 v15;
	v12 =	vld.idx.msk [tilespmem:v4+s4+$0x0], $0xffff;
	[tilespmem:s28+$0xA380] =	vst v7;
	v13 =	vmul.f32 $2.560000000e+02, v16;
	v16 =	vsub.f32 v26, v0  }
0xc5: {  	v15 =	vcvt.f32.s32 v15;
	v19 =	vadd.s32 $0x1, v3;
	v21 =	vadd.s32 $0x1, v4;
	[tilespmem:s28+$0xA3C0] =	vst v14;
	v18 =	vld.idx.msk [tilespmem:v18+s4+$0x0], $0xffff  }
0xc6: {  	v10 =	vsub.f32 v10, v0;
	[tilespmem:s28+$0xE3F0] =	vst v1;
	v1 =	vtrunc.f32 v9;
	v9 =	vmul.f32 $2.560000000e+02, v16;
	v16 =	vld.idx.msk [tilespmem:v22+s4+$0x0], $0xffff  }
0xc7: {  	v5 =	vadd.s32 $0x2, v5;
	v2 =	vadd.s32 $0x2, v2;
	v22 =	vld.idx.msk [tilespmem:v24+s4+$0x0], $0xffff;
	v6 =	vsub.f32 v6, v0  }
0xc8: {  	v3 =	vadd.s32 $0x2, v3;
	v25 =	vadd.s32 $0x1, v8;
	v7 =	vmul.f32 $2.560000000e+02, v10;
	v10 =	vld.idx.msk [tilespmem:v8+s4+$0x0], $0xffff  }
0xc9: {  	[tilespmem:s28+$0xA3A0] =	vst v12;
	v1 =	vcvt.f32.s32 v1;
	v20 =	vld.idx.msk [tilespmem:v17+s4+$0x0], $0xffff;
	v12 =	vmul.f32 $2.560000000e+02, v6;
	v6 =	vsub.f32 v23, v0  }
0xca: {  	v19 =	vld.idx.msk [tilespmem:v19+s4+$0x0], $0xffff;
	v27 =	vadd.s32 $0x1, v17;
	[tilespmem:s28+$0xC380] =	vst v18;
	v9 =	vtrunc.f32 v9;
	v7 =	vtrunc.f32 v7  }
0xcb: {  	v23 =	vsub.f32 v28, v0;
	[tilespmem:s28+$0xC3B0] =	vst v16;
	v14 =	vmul.f32 $2.560000000e+02, v6;
	v6 =	vmul.u32 $0x3, v15;
	v15 =	vld.idx.msk [tilespmem:v21+s4+$0x0], $0xffff  }
0xcc: {  	v4 =	vadd.s32 $0x2, v4;
	v2 =	vld.idx.msk [tilespmem:v2+s4+$0x0], $0xffff;
	v9 =	vcvt.f32.s32 v9;
	v7 =	vcvt.f32.s32 v7;
	[tilespmem:s28+$0xC3C0] =	vst v22  }
0xcd: {  	v11 =	vadd.s32 $0x2, v11;
	v12 =	vtrunc.f32 v12;
	v21 =	vmul.f32 $2.560000000e+02, v23;
	v22 =	vld.idx.msk [tilespmem:v5+s4+$0x0], $0xffff;
	[tilespmem:s28+$0xA3D0] =	vst v10  }
0xce: {  	v8 =	vadd.s32 $0x2, v8;
	v10 =	vtrunc.f32 v13;
	v13 =	vtrunc.f32 v14;
	v14 =	vld.idx.msk [tilespmem:v25+s4+$0x0], $0xffff;
	[tilespmem:s28+$0xA3E0] =	vst v20  }
0xcf: {  	[tilespmem:s28+$0xC390] =	vst v19;
	v12 =	vcvt.f32.s32 v12;
	v21 =	vtrunc.f32 v21;
	v25 =	vadd.s32 $0x2, v17;
	v24 =	vld.idx.msk [tilespmem:v27+s4+$0x0], $0xffff  }
0xd0: {  	v10 =	vcvt.f32.s32 v10;
	v20 =	vmul.u32 $0x3, v1;
	v27 =	vld.idx.msk [tilespmem:v3+s4+$0x0], $0xffff;
	[tilespmem:s28+$0xC3A0] =	vst v15;
	v15 =	vmul.u32 $0x3, v7  }
0xd1: {  	v28 =	vadd.s32 $0x1, v6;
	v17 =	vmul.u32 $0x3, v9;
	v1 =	vcvt.f32.s32 v21;
	v26 =	vld.idx.msk [tilespmem:v6+s4+$0x0], $0xffff  }
0xd2: {  	[tilespmem:s28+$0xE380] =	vst v2;
	v21 =	vmul.u32 $0x3, v12;
	v19 =	vmul.u32 $0x3, v10;
	v16 =	vadd.s32 $0x1, v20;
	v29 =	vld.idx.msk [tilespmem:v4+s4+$0x0], $0xffff  }
0xd3: {  	v23 =	vld.idx.msk [tilespmem:v11+s4+$0x0], $0xffff;
	v9 =	vadd.s32 $0x1, v17;
	v5 =	vadd.s32 $0x2, v20;
	v7 =	vcvt.f32.s32 v13;
	[tilespmem:s28+$0xC3D0] =	vst v14  }
0xd4: {  	v10 =	vmul.u32 $0x3, v1;
	v13 =	vadd.s32 $0x1, v21;
	v3 =	vadd.s32 $0x2, v21;
	[tilespmem:s28+$0xC3E0] =	vst v24;
	v24 =	vld.idx.msk [tilespmem:v8+s4+$0x0], $0xffff  }
0xd5: {  	v1 =	vadd.s32 $0x2, v17;
	v11 =	vadd.s32 $0x1, v19;
	v18 =	vmul.u32 $0x3, v7;
	[tilespmem:s28+$0xE390] =	vst v27;
	v25 =	vld.idx.msk [tilespmem:v25+s4+$0x0], $0xffff  }
0xd6: {  	v4 =	vadd.s32 $0x2, v19;
	v14 =	vadd.s32 $0x1, v15;
	v7 =	vadd.s32 $0x1, v10;
	[tilespmem:s29+$0xA3F0] =	vst v26;
	v27 =	vld.idx.msk [tilespmem:v15+s4+$0x0], $0xffff  }
0xd7: {  	v8 =	vadd.s32 $0x2, v15;
	v12 =	vadd.s32 $0x1, v18;
	v2 =	vadd.s32 $0x2, v18;
	[tilespmem:s28+$0xE3A0] =	vst v29;
	v26 =	vld.idx.msk [tilespmem:v28+s4+$0x0], $0xffff  }
.LBB2_9:
0xd8: {  	s30 =	sadd.s32 $0x80, s30;
	v20 =	vld.idx.msk [tilespmem:v20+s4+$0x0], $0xffff;
	v15 =	vadd.s32 $0x2, v10;
	v6 =	vadd.s32 $0x2, v6;
	s31 =	sadd.s32 $0x400, s31;
	[tilespmem:s28+$0xE3B0] =	vst v22  }
0xd9: {  	s0 =	sadd.s32 $0x20, s0;
	s2 =	sand.u32 $0x1000, s30;
	s12 =	sand.u32 $0xC00, s31;
	v21 =	vld.idx.msk [tilespmem:v21+s4+$0x0], $0xffff;
	[tilespmem:s28+$0xE3C0] =	vst v23  }
0xda: {  	p0 =	slt.u32 s30, $0x1F80;
	s2 =	sor.u32 s2, s12;
	s12 =	sand.u32 $0x380, s0;
	v19 =	vld.idx.msk [tilespmem:v19+s4+$0x0], $0xffff;
	[tilespmem:s28+$0xE3D0] =	vst v24  }
0xdb: {  	v18 =	vld.idx.msk [tilespmem:v18+s4+$0x0], $0xffff;
	[tilespmem:s28+$0xE3E0] =	vst v25;
	s28 =	smov.u32 s29;
	s29 =	sor.u32 s12, s2  }
0xdc: {  	v22 =	vld [tilespmem:s29+$0x23F0];
	[tilespmem:s28+$0xC3F0] =	vst v26  }
0xdd: {  	[tilespmem:s28+$0xA380] =	vst v27;
	v6 =	vld.idx.msk [tilespmem:v6+s4+$0x0], $0xffff  }
0xde: {  	v23 =	vld [tilespmem:s29+$0x2380];
	[tilespmem:s28+$0xA390] =	vst v20  }
0xdf: {  	v20 =	vld [tilespmem:s29+$0x2390];
	[tilespmem:s28+$0xA3A0] =	vst v21  }
0xe0: {  	v21 =	vld [tilespmem:s29+$0x23A0];
	[tilespmem:s28+$0xA3B0] =	vst v19  }
0xe1: {  	v19 =	vld [tilespmem:s29+$0x23B0];
	[tilespmem:s28+$0xA3C0] =	vst v18  }
0xe2: {  	v22 =	vsub.f32 v22, v0;
	v18 =	vld [tilespmem:s29+$0x23C0]  }
0xe3: {  	v23 =	vsub.f32 v23, v0;
	v24 =	vld [tilespmem:s29+$0x23D0];
	[tilespmem:s28+$0xE3F0] =	vst v6  }
0xe4: {  	v22 =	vmul.f32 $2.560000000e+02, v22;
	v6 =	vsub.f32 v20, v0;
	v20 =	vld [tilespmem:s29+$0x23E0]  }
0xe5: {  	v23 =	vmul.f32 $2.560000000e+02, v23;
	v21 =	vsub.f32 v21, v0;
	v17 =	vld.idx.msk [tilespmem:v17+s4+$0x0], $0xffff  }
0xe6: {  	v25 =	vmul.f32 $2.560000000e+02, v6;
	v6 =	vsub.f32 v19, v0;
	v19 =	vtrunc.f32 v22;
	v10 =	vld.idx.msk [tilespmem:v10+s4+$0x0], $0xffff  }
0xe7: {  	v21 =	vmul.f32 $2.560000000e+02, v21;
	v18 =	vsub.f32 v18, v0;
	v19 =	vcvt.f32.s32 v19;
	v14 =	vld.idx.msk [tilespmem:v14+s4+$0x0], $0xffff  }
0xe8: {  	v22 =	vtrunc.f32 v23;
	v23 =	vmul.f32 $2.560000000e+02, v6;
	v24 =	vsub.f32 v24, v0;
	v16 =	vld.idx.msk [tilespmem:v16+s4+$0x0], $0xffff  }
0xe9: {  	v18 =	vmul.f32 $2.560000000e+02, v18;
	v20 =	vsub.f32 v20, v0;
	v6 =	vmul.u32 $0x3, v19;
	v13 =	vld.idx.msk [tilespmem:v13+s4+$0x0], $0xffff  }
0xea: {  	v19 =	vtrunc.f32 v25;
	v24 =	vmul.f32 $2.560000000e+02, v24;
	v11 =	vld.idx.msk [tilespmem:v11+s4+$0x0], $0xffff  }
0xeb: {  	v21 =	vtrunc.f32 v21;
	v20 =	vmul.f32 $2.560000000e+02, v20;
	v12 =	vld.idx.msk [tilespmem:v12+s4+$0x0], $0xffff;
	[tilespmem:s28+$0xA3D0] =	vst v17  }
0xec: {  	v17 =	vtrunc.f32 v23;
	v18 =	vtrunc.f32 v18;
	v9 =	vld.idx.msk [tilespmem:v9+s4+$0x0], $0xffff;
	[tilespmem:s28+$0xA3E0] =	vst v10  }
0xed: {  	v10 =	vtrunc.f32 v24;
	v23 =	vtrunc.f32 v20;
	[tilespmem:s28+$0xC380] =	vst v14;
	v7 =	vld.idx.msk [tilespmem:v7+s4+$0x0], $0xffff  }
0xee: {  	v19 =	vcvt.f32.s32 v19;
	v14 =	vcvt.f32.s32 v22;
	v8 =	vld.idx.msk [tilespmem:v8+s4+$0x0], $0xffff;
	[tilespmem:s28+$0xC390] =	vst v16  }
0xef: {  	v17 =	vcvt.f32.s32 v17;
	v16 =	vcvt.f32.s32 v21;
	v25 =	vld.idx.msk [tilespmem:v6+s4+$0x0], $0xffff;
	[tilespmem:s28+$0xC3A0] =	vst v13  }
0xf0: {  	v10 =	vcvt.f32.s32 v10;
	v27 =	vmul.u32 $0x3, v14;
	v13 =	vcvt.f32.s32 v18;
	v28 =	vld.idx.msk [tilespmem:v5+s4+$0x0], $0xffff;
	[tilespmem:s28+$0xC3B0] =	vst v11  }
0xf1: {  	v26 =	vadd.s32 $0x1, v6;
	v20 =	vmul.u32 $0x3, v19;
	v5 =	vcvt.f32.s32 v23;
	v29 =	vld.idx.msk [tilespmem:v3+s4+$0x0], $0xffff;
	[tilespmem:s28+$0xC3C0] =	vst v12  }
0xf2: {  	v19 =	vmul.u32 $0x3, v17;
	v21 =	vmul.u32 $0x3, v16;
	v18 =	vmul.u32 $0x3, v13;
	v22 =	vld.idx.msk [tilespmem:v4+s4+$0x0], $0xffff;
	[tilespmem:s28+$0xC3D0] =	vst v9  }
.Ltmp6:
0xf3: {  	v17 =	vmul.u32 $0x3, v10;
	v14 =	vadd.s32 $0x1, v27;
	v10 =	vmul.u32 $0x3, v5;
	v23 =	vld.idx.msk [tilespmem:v2+s4+$0x0], $0xffff;
	[tilespmem:s28+$0xC3E0] =	vst v7;
	(pc) =	sbr.rel @p0 .LBB2_9-.Ltmp6, $4  }
0xf4: {  	v16 =	vadd.s32 $0x1, v20;
	v11 =	vadd.s32 $0x1, v19;
	v13 =	vadd.s32 $0x1, v21;
	[tilespmem:s28+$0xE380] =	vst v8;
	v24 =	vld.idx.msk [tilespmem:v1+s4+$0x0], $0xffff  }
0xf5: {  	v9 =	vadd.s32 $0x1, v17;
	v12 =	vadd.s32 $0x1, v18;
	v7 =	vadd.s32 $0x1, v10;
	[tilespmem:s29+$0xA3F0] =	vst v25;
	v25 =	vld.idx.msk [tilespmem:v15+s4+$0x0], $0xffff  }
0xf6: {  	v5 =	vadd.s32 $0x2, v20;
	v3 =	vadd.s32 $0x2, v21;
	v8 =	vadd.s32 $0x2, v27;
	v26 =	vld.idx.msk [tilespmem:v26+s4+$0x0], $0xffff;
	[tilespmem:s28+$0xE390] =	vst v28  }
0xf7: {  	v4 =	vadd.s32 $0x2, v19;
	v2 =	vadd.s32 $0x2, v18;
	v1 =	vadd.s32 $0x2, v17;
	v27 =	vld.idx.msk [tilespmem:v27+s4+$0x0], $0xffff;
	[tilespmem:s28+$0xE3A0] =	vst v29  }
0xf8: {  	_ =	sdelay $0x2  }
0xf9: {  	[tilespmem:s28+$0xE3B0] =	vst v22  }
0xfa: {  	v15 =	vld.idx.msk [tilespmem:v20+s4+$0x0], $0xffff;
	[tilespmem:s28+$0xE3C0] =	vst v23  }
0xfb: {  	v6 =	vadd.s32 $0x2, v6;
	v59 =	vld.idx.msk [tilespmem:v21+s4+$0x0], $0xffff;
	[tilespmem:s28+$0xE3D0] =	vst v24  }
0xfc: {  	v19 =	vld.idx.msk [tilespmem:v19+s4+$0x0], $0xffff;
	[tilespmem:s28+$0xE3E0] =	vst v25  }
0xfd: {  	v18 =	vld.idx.msk [tilespmem:v18+s4+$0x0], $0xffff;
	[tilespmem:s29+$0xC3F0] =	vst v26  }
0xfe: {  	v60 =	vld.idx.msk [tilespmem:v17+s4+$0x0], $0xffff;
	[tilespmem:s29+$0xA380] =	vst v27  }
0xff: {  	v61 =	vld.idx.msk [tilespmem:v10+s4+$0x0], $0xffff;
	[tilespmem:s29+$0xA390] =	vst v15  }
0x100: {  	v6 =	vld.idx.msk [tilespmem:v6+s4+$0x0], $0xffff;
	[tilespmem:s29+$0xA3A0] =	vst v59  }
0x101: {  	[tilespmem:s29+$0xA3B0] =	vst v19;
	v14 =	vld.idx.msk [tilespmem:v14+s4+$0x0], $0xffff  }
0x102: {  	[tilespmem:s29+$0xA3C0] =	vst v18;
	v16 =	vld.idx.msk [tilespmem:v16+s4+$0x0], $0xffff  }
0x103: {  	[tilespmem:s29+$0xA3D0] =	vst v60;
	v62 =	vld.idx.msk [tilespmem:v13+s4+$0x0], $0xffff  }
0x104: {  	[tilespmem:s29+$0xA3E0] =	vst v61;
	v11 =	vld.idx.msk [tilespmem:v11+s4+$0x0], $0xffff  }
0x105: {  	v12 =	vld.idx.msk [tilespmem:v12+s4+$0x0], $0xffff;
	[tilespmem:s29+$0xE3F0] =	vst v6  }
0x106: {  	v9 =	vld.idx.msk [tilespmem:v9+s4+$0x0], $0xffff;
	[tilespmem:s29+$0xC380] =	vst v14  }
0x107: {  	v7 =	vld.idx.msk [tilespmem:v7+s4+$0x0], $0xffff;
	[tilespmem:s29+$0xC390] =	vst v16  }
0x108: {  	v8 =	vld.idx.msk [tilespmem:v8+s4+$0x0], $0xffff;
	[tilespmem:s29+$0xC3A0] =	vst v62  }
0x109: {  	v63 =	vadd.s32 $0x2, v10;
	[tilespmem:s29+$0xC3B0] =	vst v11;
	v5 =	vld.idx.msk [tilespmem:v5+s4+$0x0], $0xffff  }
0x10a: {  	[tilespmem:s29+$0xC3C0] =	vst v12;
	v3 =	vld.idx.msk [tilespmem:v3+s4+$0x0], $0xffff  }
0x10b: {  	[tilespmem:s29+$0xC3D0] =	vst v9;
	v4 =	vld.idx.msk [tilespmem:v4+s4+$0x0], $0xffff  }
0x10c: {  	[tilespmem:s29+$0xC3E0] =	vst v7;
	v2 =	vld.idx.msk [tilespmem:v2+s4+$0x0], $0xffff  }
0x10d: {  	v1 =	vld.idx.msk [tilespmem:v1+s4+$0x0], $0xffff;
	[tilespmem:s29+$0xE380] =	vst v8  }
0x10e: {  	v6 =	vld.idx.msk [tilespmem:v63+s4+$0x0], $0xffff;
	[tilespmem:s29+$0xE390] =	vst v5  }
0x10f: {  	p0 =	seq.s32 s24, $0x1F;
	[tilespmem:s29+$0xE3A0] =	vst v3  }
.Ltmp7:
0x110: {  	[tilespmem:s29+$0xE3B0] =	vst v4;
	(pc) =	sbr.rel @p0 .LBB2_12-.Ltmp7, $4  }
0x111: {  	[tilespmem:s29+$0xE3C0] =	vst v2  }
0x112: {  	s0 =	sadd.s32 s26, s3;
	[tilespmem:s29+$0xE3D0] =	vst v1  }
0x113: {  	s0 =	sadd.s32 $0x400, s0;
	[tilespmem:s29+$0xE3E0] =	vst v6  }
0x114: {  	[hbm4b:s0+s16] =	stream.strided.scatter [tilespmem:s21], [sflag:$0x4], $0x6000, s17, s16, $0x38;
	[tilespmem:$0x10380] =	vst v63  }
0x115: {  	s0 =	sadd.s32 $0x3, s25  }
.Ltmp8:
0x116: {  	s2 =	sshrl.u32 s0, $0x5;
	s0 =	sshll.u32 s0, $0xA;
	(pc) =	sbr.rel .LBB2_2-.Ltmp8, $4  }
0x117: {  	s2 =	sadd.s32 s5, s2;
	s0 =	sand.u32 $0x7C00, s0  }
0x118: {  	s2 =	sshll.u32 s2, $0xF;
	s0 =	sadd.s32 s1, s0  }
0x119: {  	s24 =	sadd.s32 $0x1, s24;
	s0 =	sadd.s32 s2, s0  }
0x11a: {  	[tilespmem:s14], [sflag:$0x2] =	stream.linear.gather [hbm4b:s0+s4], $0x2000, $0x38;
	[tilespmem:$0x10380] =	vst v63  }
.LBB2_13:
0x11b: {  	_ =	sfence.sel $0x180000  }
0x11c: {  	[bflag:$0x0] =	sbarrier.arrive $0xFFFF  }
0x11d: {  	_ =	strace $0x90000047  }
0x11e: {  	s0 =	stileid.u32;
	[bflag:$0x2] =	sbarrier.arrive $0xFFFF  }
0x11f: {  	p0 =	sne.s32 s0, $0x0;
	s0 =	rddreg [dreg:$0x3]  }
0x120: {  	s0 =	sadd.s32 @!p0 $0x100000, s0  }
0x121: {  	[sflag:s0] =	ssyncadd.tile.s32 @!p0 $0x1;
	_ =	shalt  }
.Lfunc_end2:
_tile_overlayer_lowered:
.L_overlay_start_2:
0x122: {  	(tag) =	ssettag $0x2  }
0x123: {  	s0 =	rddreg [dreg:$0x0];
	s2 =	stileid.u32  }
0x124: {  	s1 =	rddreg [dreg:$0x1];
	p0 =	sne.s32 s2, $0x0  }
0x125: {  	s3 =	rddreg [dreg:$0x2];
	[bflag:$0x3] =	sbarrier.arrive $0xFFFF;
	s2 =	simm.s32 @!p0 $0x1C05  }
0x126: {  	[timem:s3], [sflag:s2] =	dma.local @!p0 [hbm:s0], s1  }
0x127: {  	s0 =	simm.s32 @!p0 $0x5  }
0x128: {  	_ =	swait.ge @!p0 [sflag:s0], s1  }
0x129: {  	s1 =	ssub.s32 @!p0 $0x0, s1;
	[sflag:s0] =	ssyncset.done @!p0 $0x0  }
0x12a: {  	[sflag:s0] =	ssyncadd.s32 @!p0 s1  }
0x12b: {  	[bflag:$0x3] =	sbarrier.arrive $0xFFFF  }
0x12c: {  	_ =	shalt  }

</sc_bundles>
